<compile_context>
chip_gen: v7x
topology: tpu7x:2x2x1
jax: 0.10.2.dev20260603
libtpu: 0.0.44.dev20260713+nightly
codegen_flags: <defaults>
</compile_context>

<pallas_src>
import functools

import jax
import jax.numpy as jnp
from jax import lax
from jax.experimental import pallas as pl
from jax.experimental.pallas import tpu as pltpu
from jax.experimental.pallas import tpu_sc as plsc

N = 1024
B = 32
E = N * (N - 1)
NC = 2
NS = 16
L = 16
NW = NC * NS
ROWS_W = N // NW
IN_CHUNK = ROWS_W * (N - 1)
OUT_CHUNK = ROWS_W * N

_mesh = plsc.VectorSubcoreMesh(core_axis_name="c", subcore_axis_name="s")


@functools.partial(
    pl.kernel,
    out_type=jax.ShapeDtypeStruct((B * N * N,), jnp.float32),
    mesh=_mesh,
    compiler_params=pltpu.CompilerParams(needs_layout_passes=False),
    scratch_types=[
        pltpu.VMEM((IN_CHUNK,), jnp.float32),
        pltpu.VMEM((OUT_CHUNK,), jnp.float32),
        pltpu.SemaphoreType.DMA,
        pltpu.SemaphoreType.DMA,
    ],
)
def _unflatten_sc(g_hbm, out_hbm, in_v, out_v, isem, osem):
    wid = lax.axis_index("s") * NC + lax.axis_index("c")
    r0 = wid * ROWS_W
    lane = lax.iota(jnp.int32, 16)

    def body(b, _):
        g_off = b * E + r0 * (N - 1)
        in_cp = pltpu.make_async_copy(
            g_hbm.at[pl.ds(g_off, IN_CHUNK)], in_v, isem
        )
        in_cp.start()
        in_cp.wait()

        def row_body(i, _):
            r = r0 + i
            jr = lax.div(r, L)
            ibase = i * (N - 1)
            obase = i * N

            col = jr * L + lane
            idx = ibase + col - (col > r).astype(jnp.int32)
            vfix = plsc.load_gather(in_v, [idx])
            vfix = jnp.where(col == r, jnp.float32(0.0), vfix)

            for j in range(N // L):
                off = ibase + j * L - (j > jr).astype(jnp.int32)
                v = in_v[pl.ds(off, L)]
                sel = jax.lax.broadcast(j == jr, (L,))
                out_v[pl.ds(obase + j * L, L)] = jnp.where(sel, vfix, v)
            return 0

        lax.fori_loop(0, ROWS_W, row_body, 0)

        o_off = b * (N * N) + r0 * N
        out_cp = pltpu.make_async_copy(
            out_v, out_hbm.at[pl.ds(o_off, OUT_CHUNK)], osem
        )
        out_cp.start()
        out_cp.wait()
        return 0

    lax.fori_loop(0, B, body, 0)


def kernel(graph):
    flat = graph.reshape(B * E)
    out = _unflatten_sc(flat)
    return out.reshape(B, N, N)

# --- scband reference (transcript-rebuilt; emitter-appended) ---
"""Pipeline reference for scband-base-gm-89189290868765 (READ-ONLY COPY).

The authoritative reference and input builder live on the scoring server;
editing this copy changes nothing except your own understanding.
"""

import jax, jax.numpy as jnp
import numpy as np

NUM_NODES = 1024
BATCH = 32

# Precompute receiver/sender indices exactly as _baseGM.create_receiver_sender_indices
# (include_diag=False -> all off-diagonal entries, row-major order).
_edge_indices = np.ones([NUM_NODES, NUM_NODES]) - np.eye(NUM_NODES)
RECEIVERS, SENDERS = np.where(_edge_indices)
NUM_EDGES = RECEIVERS.shape[0]  # 1024*1023 = 1047552


def setup_inputs(seed: int = 0) -> dict:
    key = jax.random.key(seed)
    graph = jax.random.normal(key, (BATCH, NUM_EDGES), dtype=jnp.float32)
    return {"graph": graph}


def reference(graph):
    # Faithful translation of _baseGM.unflatten_graph:
    #   graph_reshape = zeros(B, N, N)
    #   graph_reshape[:, receivers, senders] = graph
    recv = jnp.asarray(RECEIVERS, dtype=jnp.int32)
    send = jnp.asarray(SENDERS, dtype=jnp.int32)
    out = jnp.zeros((graph.shape[0], NUM_NODES, NUM_NODES), dtype=graph.dtype)
    out = out.at[:, recv, send].set(graph)
    return out

if __name__ == "__main__":
    import jax
    _d = setup_inputs()
    print(jax.jit(kernel)(*tuple(_d.values())))

</pallas_src>

<mosaic_0001>
#map = affine_map<(d0, d1) -> (0)>
module attributes {stable_mosaic.version = 14 : i64} {
  func.func @_unflatten_sc(%arg0: i32, %arg1: i32, %arg2: memref<33521664xf32, #tpu.memory_space<hbm>>, %arg3: memref<33554432xf32, #tpu.memory_space<hbm>>, %arg4: memref<32736xf32, #tpu.memory_space<vmem>>, %arg5: memref<32768xf32, #tpu.memory_space<vmem>>, %arg6: memref<!tpu.dma_semaphore, #tpu.memory_space<semaphore_mem>>, %arg7: memref<!tpu.dma_semaphore, #tpu.memory_space<semaphore_mem>>) attributes {dimension_semantics = [#tpu.dimension_semantics<core_parallel>, #tpu.dimension_semantics<subcore_parallel>], iteration_bounds = array<i64: 2, 16>, scalar_prefetch = 0 : i64, scratch_operands = 4 : i64, tpu.core_type = #tpu.core_type<sc_vector_subcore>, window_params = [{transform_indices = #map}, {transform_indices = #map}]} {
    %mul3A = arith.constant 2 : i32
    %mul3A_0 = arith.muli %arg1, %mul3A : i32
    %add3A = arith.addi %mul3A_0, %arg0 : i32
    %mul3A_1 = arith.constant 32 : i32
    %mul3A_2 = arith.muli %add3A, %mul3A_1 : i32
    %iota3A = tpu.iota {dimensions = array<i32: 0>} : vector<16xi32>
    %scan3A = arith.constant 0 : i32
    %scan3A_3 = arith.constant 0 : i32
    %scan3A_4 = arith.constant 32 : i32
    %scan3A_5 = arith.addi %scan3A_3, %scan3A_4 : i32
    %scan3A_6 = arith.constant 1 : i32
    %scan3A_7 = scf.for %scan3A_9 = %scan3A_3 to %scan3A_5 step %scan3A_6 iter_args(%scan3A_10 = %scan3A) -> (i32)  : i32 {
      %mul3A_11 = arith.constant 1047552 : i32
      %mul3A_12 = arith.muli %scan3A_9, %mul3A_11 : i32
      %mul3A_13 = arith.constant 1023 : i32
      %mul3A_14 = arith.muli %mul3A_2, %mul3A_13 : i32
      %add3A_15 = arith.addi %mul3A_12, %mul3A_14 : i32
      %dma_start3A = tpu.memref_slice %arg2[%add3A_15] : memref<33521664xf32, #tpu.memory_space<hbm>> -> memref<32736xf32, #tpu.memory_space<hbm>>
      %dma_start3A_16 = tpu.memref_slice %arg2[%add3A_15] : memref<33521664xf32, #tpu.memory_space<hbm>> -> memref<32736xf32, #tpu.memory_space<hbm>>
      tpu.enqueue_dma source(%dma_start3A_16 : memref<32736xf32, #tpu.memory_space<hbm>>) target(%arg4 : memref<32736xf32, #tpu.memory_space<vmem>>) target_semaphore(%arg6 : memref<!tpu.dma_semaphore, #tpu.memory_space<semaphore_mem>>)
      %dma_wait3A = tpu.memref_slice %arg2[%add3A_15] : memref<33521664xf32, #tpu.memory_space<hbm>> -> memref<32736xf32, #tpu.memory_space<hbm>>
      %dma_wait3A_17 = tpu.memref_slice %arg2[%add3A_15] : memref<33521664xf32, #tpu.memory_space<hbm>> -> memref<32736xf32, #tpu.memory_space<hbm>>
      tpu.wait_dma2 semaphore(%arg6 : memref<!tpu.dma_semaphore, #tpu.memory_space<semaphore_mem>>) src(%dma_wait3A_17 : memref<32736xf32, #tpu.memory_space<hbm>>) dst(%arg4 : memref<32736xf32, #tpu.memory_space<vmem>>)
      %scan3A_18 = arith.constant 0 : i32
      %scan3A_19 = arith.constant 0 : i32
      %scan3A_20 = arith.constant 32 : i32
      %scan3A_21 = arith.addi %scan3A_19, %scan3A_20 : i32
      %scan3A_22 = arith.constant 1 : i32
      %scan3A_23 = scf.for %scan3A_35 = %scan3A_19 to %scan3A_21 step %scan3A_22 iter_args(%scan3A_36 = %scan3A_18) -> (i32)  : i32 {
        %add3A_37 = arith.addi %mul3A_2, %scan3A_35 : i32
        %div3A = arith.constant 16 : i32
        %div3A_38 = arith.divsi %add3A_37, %div3A : i32
        %mul3A_39 = arith.constant 1023 : i32
        %mul3A_40 = arith.muli %scan3A_35, %mul3A_39 : i32
        %mul3A_41 = arith.constant 1024 : i32
        %mul3A_42 = arith.muli %scan3A_35, %mul3A_41 : i32
        %mul3A_43 = arith.constant 16 : i32
        %mul3A_44 = arith.muli %div3A_38, %mul3A_43 : i32
        %add3A_45 = vector.broadcast %mul3A_44 : i32 to vector<16xi32>
        %add3A_46 = arith.addi %add3A_45, %iota3A : vector<16xi32>
        %add3A_47 = vector.broadcast %mul3A_40 : i32 to vector<16xi32>
        %add3A_48 = arith.addi %add3A_47, %add3A_46 : vector<16xi32>
        %gt3A = vector.broadcast %add3A_37 : i32 to vector<16xi32>
        %gt3A_49 = arith.cmpi sgt, %add3A_46, %gt3A : vector<16xi32>
        %convert_element_type3A = arith.extui %gt3A_49 : vector<16xi1> to vector<16xi32>
        %sub3A = arith.subi %add3A_48, %convert_element_type3A : vector<16xi32>
        %gather3A = tpu.vector_load_idx %arg4[%sub3A] : memref<32736xf32, #tpu.memory_space<vmem>>[vector<16xi32>], vector<16xf32>,
        %eq3A = vector.broadcast %add3A_37 : i32 to vector<16xi32>
        %eq3A_50 = arith.cmpi eq, %add3A_46, %eq3A : vector<16xi32>
        %jit3A = arith.constant 0.000000e+00 : f32
        %broadcast_in_dim3A = vector.broadcast %jit3A : f32 to vector<16xf32>
        %select_n3A = arith.select %eq3A_50, %broadcast_in_dim3A, %gather3A : vector<16xi1>, vector<16xf32>
        %add3A_51 = arith.constant 0 : i32
        %add3A_52 = arith.addi %mul3A_40, %add3A_51 : i32
        %lt3A = arith.constant 0 : i32
        %lt3A_53 = arith.cmpi slt, %div3A_38, %lt3A : i32
        %convert_element_type3A_54 = arith.extui %lt3A_53 : i1 to i32
        %sub3A_55 = arith.subi %add3A_52, %convert_element_type3A_54 : i32
        %get3A = arith.index_cast %sub3A_55 : i32 to index
        %get3A_56 = tpu.vector_load %arg4[%get3A] {strides = array<i32>} : memref<32736xf32, #tpu.memory_space<vmem>>, vector<16xf32>,
        %eq3A_57 = arith.constant 0 : i32
        %eq3A_58 = arith.cmpi eq, %div3A_38, %eq3A_57 : i32
        %broadcast_in_dim3A_59 = vector.broadcast %eq3A_58 : i1 to vector<16xi1>
        %select_n3A_60 = arith.select %broadcast_in_dim3A_59, %select_n3A, %get3A_56 : vector<16xi1>, vector<16xf32>
        %add3A_61 = arith.constant 0 : i32
        %add3A_62 = arith.addi %mul3A_42, %add3A_61 : i32
        %swap3A = arith.index_cast %add3A_62 : i32 to index
        %swap3A_63 = tpu.vector_load %arg5[%swap3A] {strides = array<i32>} : memref<32768xf32, #tpu.memory_space<vmem>>, vector<16xf32>,
        tpu.vector_store %arg5[%swap3A], %select_n3A_60 {strides = array<i32>} : memref<32768xf32, #tpu.memory_space<vmem>>, vector<16xf32>,
        %add3A_64 = arith.constant 16 : i32
        %add3A_65 = arith.addi %mul3A_40, %add3A_64 : i32
        %lt3A_66 = arith.constant 1 : i32
        %lt3A_67 = arith.cmpi slt, %div3A_38, %lt3A_66 : i32
        %convert_element_type3A_68 = arith.extui %lt3A_67 : i1 to i32
        %sub3A_69 = arith.subi %add3A_65, %convert_element_type3A_68 : i32
        %get3A_70 = arith.index_cast %sub3A_69 : i32 to index
        %get3A_71 = tpu.vector_load %arg4[%get3A_70] {strides = array<i32>} : memref<32736xf32, #tpu.memory_space<vmem>>, vector<16xf32>,
        %eq3A_72 = arith.constant 1 : i32
        %eq3A_73 = arith.cmpi eq, %div3A_38, %eq3A_72 : i32
        %broadcast_in_dim3A_74 = vector.broadcast %eq3A_73 : i1 to vector<16xi1>
        %select_n3A_75 = arith.select %broadcast_in_dim3A_74, %select_n3A, %get3A_71 : vector<16xi1>, vector<16xf32>
        %add3A_76 = arith.constant 16 : i32
        %add3A_77 = arith.addi %mul3A_42, %add3A_76 : i32
        %swap3A_78 = arith.index_cast %add3A_77 : i32 to index
        %swap3A_79 = tpu.vector_load %arg5[%swap3A_78] {strides = array<i32>} : memref<32768xf32, #tpu.memory_space<vmem>>, vector<16xf32>,
        tpu.vector_store %arg5[%swap3A_78], %select_n3A_75 {strides = array<i32>} : memref<32768xf32, #tpu.memory_space<vmem>>, vector<16xf32>,
        %add3A_80 = arith.constant 32 : i32
        %add3A_81 = arith.addi %mul3A_40, %add3A_80 : i32
        %lt3A_82 = arith.constant 2 : i32
        %lt3A_83 = arith.cmpi slt, %div3A_38, %lt3A_82 : i32
        %convert_element_type3A_84 = arith.extui %lt3A_83 : i1 to i32
        %sub3A_85 = arith.subi %add3A_81, %convert_element_type3A_84 : i32
        %get3A_86 = arith.index_cast %sub3A_85 : i32 to index
        %get3A_87 = tpu.vector_load %arg4[%get3A_86] {strides = array<i32>} : memref<32736xf32, #tpu.memory_space<vmem>>, vector<16xf32>,
        %eq3A_88 = arith.constant 2 : i32
        %eq3A_89 = arith.cmpi eq, %div3A_38, %eq3A_88 : i32
        %broadcast_in_dim3A_90 = vector.broadcast %eq3A_89 : i1 to vector<16xi1>
        %select_n3A_91 = arith.select %broadcast_in_dim3A_90, %select_n3A, %get3A_87 : vector<16xi1>, vector<16xf32>
        %add3A_92 = arith.constant 32 : i32
        %add3A_93 = arith.addi %mul3A_42, %add3A_92 : i32
        %swap3A_94 = arith.index_cast %add3A_93 : i32 to index
        %swap3A_95 = tpu.vector_load %arg5[%swap3A_94] {strides = array<i32>} : memref<32768xf32, #tpu.memory_space<vmem>>, vector<16xf32>,
        tpu.vector_store %arg5[%swap3A_94], %select_n3A_91 {strides = array<i32>} : memref<32768xf32, #tpu.memory_space<vmem>>, vector<16xf32>,
        %add3A_96 = arith.constant 48 : i32
        %add3A_97 = arith.addi %mul3A_40, %add3A_96 : i32
        %lt3A_98 = arith.constant 3 : i32
        %lt3A_99 = arith.cmpi slt, %div3A_38, %lt3A_98 : i32
        %convert_element_type3A_100 = arith.extui %lt3A_99 : i1 to i32
        %sub3A_101 = arith.subi %add3A_97, %convert_element_type3A_100 : i32
        %get3A_102 = arith.index_cast %sub3A_101 : i32 to index
        %get3A_103 = tpu.vector_load %arg4[%get3A_102] {strides = array<i32>} : memref<32736xf32, #tpu.memory_space<vmem>>, vector<16xf32>,
        %eq3A_104 = arith.constant 3 : i32
        %eq3A_105 = arith.cmpi eq, %div3A_38, %eq3A_104 : i32
        %broadcast_in_dim3A_106 = vector.broadcast %eq3A_105 : i1 to vector<16xi1>
        %select_n3A_107 = arith.select %broadcast_in_dim3A_106, %select_n3A, %get3A_103 : vector<16xi1>, vector<16xf32>
        %add3A_108 = arith.constant 48 : i32
        %add3A_109 = arith.addi %mul3A_42, %add3A_108 : i32
        %swap3A_110 = arith.index_cast %add3A_109 : i32 to index
        %swap3A_111 = tpu.vector_load %arg5[%swap3A_110] {strides = array<i32>} : memref<32768xf32, #tpu.memory_space<vmem>>, vector<16xf32>,
        tpu.vector_store %arg5[%swap3A_110], %select_n3A_107 {strides = array<i32>} : memref<32768xf32, #tpu.memory_space<vmem>>, vector<16xf32>,
        %add3A_112 = arith.constant 64 : i32
        %add3A_113 = arith.addi %mul3A_40, %add3A_112 : i32
        %lt3A_114 = arith.constant 4 : i32
        %lt3A_115 = arith.cmpi slt, %div3A_38, %lt3A_114 : i32
        %convert_element_type3A_116 = arith.extui %lt3A_115 : i1 to i32
        %sub3A_117 = arith.subi %add3A_113, %convert_element_type3A_116 : i32
        %get3A_118 = arith.index_cast %sub3A_117 : i32 to index
        %get3A_119 = tpu.vector_load %arg4[%get3A_118] {strides = array<i32>} : memref<32736xf32, #tpu.memory_space<vmem>>, vector<16xf32>,
        %eq3A_120 = arith.constant 4 : i32
        %eq3A_121 = arith.cmpi eq, %div3A_38, %eq3A_120 : i32
        %broadcast_in_dim3A_122 = vector.broadcast %eq3A_121 : i1 to vector<16xi1>
        %select_n3A_123 = arith.select %broadcast_in_dim3A_122, %select_n3A, %get3A_119 : vector<16xi1>, vector<16xf32>
        %add3A_124 = arith.constant 64 : i32
        %add3A_125 = arith.addi %mul3A_42, %add3A_124 : i32
        %swap3A_126 = arith.index_cast %add3A_125 : i32 to index
        %swap3A_127 = tpu.vector_load %arg5[%swap3A_126] {strides = array<i32>} : memref<32768xf32, #tpu.memory_space<vmem>>, vector<16xf32>,
        tpu.vector_store %arg5[%swap3A_126], %select_n3A_123 {strides = array<i32>} : memref<32768xf32, #tpu.memory_space<vmem>>, vector<16xf32>,
        %add3A_128 = arith.constant 80 : i32
        %add3A_129 = arith.addi %mul3A_40, %add3A_128 : i32
        %lt3A_130 = arith.constant 5 : i32
        %lt3A_131 = arith.cmpi slt, %div3A_38, %lt3A_130 : i32
        %convert_element_type3A_132 = arith.extui %lt3A_131 : i1 to i32
        %sub3A_133 = arith.subi %add3A_129, %convert_element_type3A_132 : i32
        %get3A_134 = arith.index_cast %sub3A_133 : i32 to index
        %get3A_135 = tpu.vector_load %arg4[%get3A_134] {strides = array<i32>} : memref<32736xf32, #tpu.memory_space<vmem>>, vector<16xf32>,
        %eq3A_136 = arith.constant 5 : i32
        %eq3A_137 = arith.cmpi eq, %div3A_38, %eq3A_136 : i32
        %broadcast_in_dim3A_138 = vector.broadcast %eq3A_137 : i1 to vector<16xi1>
        %select_n3A_139 = arith.select %broadcast_in_dim3A_138, %select_n3A, %get3A_135 : vector<16xi1>, vector<16xf32>
        %add3A_140 = arith.constant 80 : i32
        %add3A_141 = arith.addi %mul3A_42, %add3A_140 : i32
        %swap3A_142 = arith.index_cast %add3A_141 : i32 to index
        %swap3A_143 = tpu.vector_load %arg5[%swap3A_142] {strides = array<i32>} : memref<32768xf32, #tpu.memory_space<vmem>>, vector<16xf32>,
        tpu.vector_store %arg5[%swap3A_142], %select_n3A_139 {strides = array<i32>} : memref<32768xf32, #tpu.memory_space<vmem>>, vector<16xf32>,
        %add3A_144 = arith.constant 96 : i32
        %add3A_145 = arith.addi %mul3A_40, %add3A_144 : i32
        %lt3A_146 = arith.constant 6 : i32
        %lt3A_147 = arith.cmpi slt, %div3A_38, %lt3A_146 : i32
        %convert_element_type3A_148 = arith.extui %lt3A_147 : i1 to i32
        %sub3A_149 = arith.subi %add3A_145, %convert_element_type3A_148 : i32
        %get3A_150 = arith.index_cast %sub3A_149 : i32 to index
        %get3A_151 = tpu.vector_load %arg4[%get3A_150] {strides = array<i32>} : memref<32736xf32, #tpu.memory_space<vmem>>, vector<16xf32>,
        %eq3A_152 = arith.constant 6 : i32
        %eq3A_153 = arith.cmpi eq, %div3A_38, %eq3A_152 : i32
        %broadcast_in_dim3A_154 = vector.broadcast %eq3A_153 : i1 to vector<16xi1>
        %select_n3A_155 = arith.select %broadcast_in_dim3A_154, %select_n3A, %get3A_151 : vector<16xi1>, vector<16xf32>
        %add3A_156 = arith.constant 96 : i32
        %add3A_157 = arith.addi %mul3A_42, %add3A_156 : i32
        %swap3A_158 = arith.index_cast %add3A_157 : i32 to index
        %swap3A_159 = tpu.vector_load %arg5[%swap3A_158] {strides = array<i32>} : memref<32768xf32, #tpu.memory_space<vmem>>, vector<16xf32>,
        tpu.vector_store %arg5[%swap3A_158], %select_n3A_155 {strides = array<i32>} : memref<32768xf32, #tpu.memory_space<vmem>>, vector<16xf32>,
        %add3A_160 = arith.constant 112 : i32
        %add3A_161 = arith.addi %mul3A_40, %add3A_160 : i32
        %lt3A_162 = arith.constant 7 : i32
        %lt3A_163 = arith.cmpi slt, %div3A_38, %lt3A_162 : i32
        %convert_element_type3A_164 = arith.extui %lt3A_163 : i1 to i32
        %sub3A_165 = arith.subi %add3A_161, %convert_element_type3A_164 : i32
        %get3A_166 = arith.index_cast %sub3A_165 : i32 to index
        %get3A_167 = tpu.vector_load %arg4[%get3A_166] {strides = array<i32>} : memref<32736xf32, #tpu.memory_space<vmem>>, vector<16xf32>,
        %eq3A_168 = arith.constant 7 : i32
        %eq3A_169 = arith.cmpi eq, %div3A_38, %eq3A_168 : i32
        %broadcast_in_dim3A_170 = vector.broadcast %eq3A_169 : i1 to vector<16xi1>
        %select_n3A_171 = arith.select %broadcast_in_dim3A_170, %select_n3A, %get3A_167 : vector<16xi1>, vector<16xf32>
        %add3A_172 = arith.constant 112 : i32
        %add3A_173 = arith.addi %mul3A_42, %add3A_172 : i32
        %swap3A_174 = arith.index_cast %add3A_173 : i32 to index
        %swap3A_175 = tpu.vector_load %arg5[%swap3A_174] {strides = array<i32>} : memref<32768xf32, #tpu.memory_space<vmem>>, vector<16xf32>,
        tpu.vector_store %arg5[%swap3A_174], %select_n3A_171 {strides = array<i32>} : memref<32768xf32, #tpu.memory_space<vmem>>, vector<16xf32>,
        %add3A_176 = arith.constant 128 : i32
        %add3A_177 = arith.addi %mul3A_40, %add3A_176 : i32
        %lt3A_178 = arith.constant 8 : i32
        %lt3A_179 = arith.cmpi slt, %div3A_38, %lt3A_178 : i32
        %convert_element_type3A_180 = arith.extui %lt3A_179 : i1 to i32
        %sub3A_181 = arith.subi %add3A_177, %convert_element_type3A_180 : i32
        %get3A_182 = arith.index_cast %sub3A_181 : i32 to index
        %get3A_183 = tpu.vector_load %arg4[%get3A_182] {strides = array<i32>} : memref<32736xf32, #tpu.memory_space<vmem>>, vector<16xf32>,
        %eq3A_184 = arith.constant 8 : i32
        %eq3A_185 = arith.cmpi eq, %div3A_38, %eq3A_184 : i32
        %broadcast_in_dim3A_186 = vector.broadcast %eq3A_185 : i1 to vector<16xi1>
        %select_n3A_187 = arith.select %broadcast_in_dim3A_186, %select_n3A, %get3A_183 : vector<16xi1>, vector<16xf32>
        %add3A_188 = arith.constant 128 : i32
        %add3A_189 = arith.addi %mul3A_42, %add3A_188 : i32
        %swap3A_190 = arith.index_cast %add3A_189 : i32 to index
        %swap3A_191 = tpu.vector_load %arg5[%swap3A_190] {strides = array<i32>} : memref<32768xf32, #tpu.memory_space<vmem>>, vector<16xf32>,
        tpu.vector_store %arg5[%swap3A_190], %select_n3A_187 {strides = array<i32>} : memref<32768xf32, #tpu.memory_space<vmem>>, vector<16xf32>,
        %add3A_192 = arith.constant 144 : i32
        %add3A_193 = arith.addi %mul3A_40, %add3A_192 : i32
        %lt3A_194 = arith.constant 9 : i32
        %lt3A_195 = arith.cmpi slt, %div3A_38, %lt3A_194 : i32
        %convert_element_type3A_196 = arith.extui %lt3A_195 : i1 to i32
        %sub3A_197 = arith.subi %add3A_193, %convert_element_type3A_196 : i32
        %get3A_198 = arith.index_cast %sub3A_197 : i32 to index
        %get3A_199 = tpu.vector_load %arg4[%get3A_198] {strides = array<i32>} : memref<32736xf32, #tpu.memory_space<vmem>>, vector<16xf32>,
        %eq3A_200 = arith.constant 9 : i32
        %eq3A_201 = arith.cmpi eq, %div3A_38, %eq3A_200 : i32
        %broadcast_in_dim3A_202 = vector.broadcast %eq3A_201 : i1 to vector<16xi1>
        %select_n3A_203 = arith.select %broadcast_in_dim3A_202, %select_n3A, %get3A_199 : vector<16xi1>, vector<16xf32>
        %add3A_204 = arith.constant 144 : i32
        %add3A_205 = arith.addi %mul3A_42, %add3A_204 : i32
        %swap3A_206 = arith.index_cast %add3A_205 : i32 to index
        %swap3A_207 = tpu.vector_load %arg5[%swap3A_206] {strides = array<i32>} : memref<32768xf32, #tpu.memory_space<vmem>>, vector<16xf32>,
        tpu.vector_store %arg5[%swap3A_206], %select_n3A_203 {strides = array<i32>} : memref<32768xf32, #tpu.memory_space<vmem>>, vector<16xf32>,
        %add3A_208 = arith.constant 160 : i32
        %add3A_209 = arith.addi %mul3A_40, %add3A_208 : i32
        %lt3A_210 = arith.constant 10 : i32
        %lt3A_211 = arith.cmpi slt, %div3A_38, %lt3A_210 : i32
        %convert_element_type3A_212 = arith.extui %lt3A_211 : i1 to i32
        %sub3A_213 = arith.subi %add3A_209, %convert_element_type3A_212 : i32
        %get3A_214 = arith.index_cast %sub3A_213 : i32 to index
        %get3A_215 = tpu.vector_load %arg4[%get3A_214] {strides = array<i32>} : memref<32736xf32, #tpu.memory_space<vmem>>, vector<16xf32>,
        %eq3A_216 = arith.constant 10 : i32
        %eq3A_217 = arith.cmpi eq, %div3A_38, %eq3A_216 : i32
        %broadcast_in_dim3A_218 = vector.broadcast %eq3A_217 : i1 to vector<16xi1>
        %select_n3A_219 = arith.select %broadcast_in_dim3A_218, %select_n3A, %get3A_215 : vector<16xi1>, vector<16xf32>
        %add3A_220 = arith.constant 160 : i32
        %add3A_221 = arith.addi %mul3A_42, %add3A_220 : i32
        %swap3A_222 = arith.index_cast %add3A_221 : i32 to index
        %swap3A_223 = tpu.vector_load %arg5[%swap3A_222] {strides = array<i32>} : memref<32768xf32, #tpu.memory_space<vmem>>, vector<16xf32>,
        tpu.vector_store %arg5[%swap3A_222], %select_n3A_219 {strides = array<i32>} : memref<32768xf32, #tpu.memory_space<vmem>>, vector<16xf32>,
        %add3A_224 = arith.constant 176 : i32
        %add3A_225 = arith.addi %mul3A_40, %add3A_224 : i32
        %lt3A_226 = arith.constant 11 : i32
        %lt3A_227 = arith.cmpi slt, %div3A_38, %lt3A_226 : i32
        %convert_element_type3A_228 = arith.extui %lt3A_227 : i1 to i32
        %sub3A_229 = arith.subi %add3A_225, %convert_element_type3A_228 : i32
        %get3A_230 = arith.index_cast %sub3A_229 : i32 to index
        %get3A_231 = tpu.vector_load %arg4[%get3A_230] {strides = array<i32>} : memref<32736xf32, #tpu.memory_space<vmem>>, vector<16xf32>,
        %eq3A_232 = arith.constant 11 : i32
        %eq3A_233 = arith.cmpi eq, %div3A_38, %eq3A_232 : i32
        %broadcast_in_dim3A_234 = vector.broadcast %eq3A_233 : i1 to vector<16xi1>
        %select_n3A_235 = arith.select %broadcast_in_dim3A_234, %select_n3A, %get3A_231 : vector<16xi1>, vector<16xf32>
        %add3A_236 = arith.constant 176 : i32
        %add3A_237 = arith.addi %mul3A_42, %add3A_236 : i32
        %swap3A_238 = arith.index_cast %add3A_237 : i32 to index
        %swap3A_239 = tpu.vector_load %arg5[%swap3A_238] {strides = array<i32>} : memref<32768xf32, #tpu.memory_space<vmem>>, vector<16xf32>,
        tpu.vector_store %arg5[%swap3A_238], %select_n3A_235 {strides = array<i32>} : memref<32768xf32, #tpu.memory_space<vmem>>, vector<16xf32>,
        %add3A_240 = arith.constant 192 : i32
        %add3A_241 = arith.addi %mul3A_40, %add3A_240 : i32
        %lt3A_242 = arith.constant 12 : i32
        %lt3A_243 = arith.cmpi slt, %div3A_38, %lt3A_242 : i32
        %convert_element_type3A_244 = arith.extui %lt3A_243 : i1 to i32
        %sub3A_245 = arith.subi %add3A_241, %convert_element_type3A_244 : i32
        %get3A_246 = arith.index_cast %sub3A_245 : i32 to index
        %get3A_247 = tpu.vector_load %arg4[%get3A_246] {strides = array<i32>} : memref<32736xf32, #tpu.memory_space<vmem>>, vector<16xf32>,
        %eq3A_248 = arith.constant 12 : i32
        %eq3A_249 = arith.cmpi eq, %div3A_38, %eq3A_248 : i32
        %broadcast_in_dim3A_250 = vector.broadcast %eq3A_249 : i1 to vector<16xi1>
        %select_n3A_251 = arith.select %broadcast_in_dim3A_250, %select_n3A, %get3A_247 : vector<16xi1>, vector<16xf32>
        %add3A_252 = arith.constant 192 : i32
        %add3A_253 = arith.addi %mul3A_42, %add3A_252 : i32
        %swap3A_254 = arith.index_cast %add3A_253 : i32 to index
        %swap3A_255 = tpu.vector_load %arg5[%swap3A_254] {strides = array<i32>} : memref<32768xf32, #tpu.memory_space<vmem>>, vector<16xf32>,
        tpu.vector_store %arg5[%swap3A_254], %select_n3A_251 {strides = array<i32>} : memref<32768xf32, #tpu.memory_space<vmem>>, vector<16xf32>,
        %add3A_256 = arith.constant 208 : i32
        %add3A_257 = arith.addi %mul3A_40, %add3A_256 : i32
        %lt3A_258 = arith.constant 13 : i32
        %lt3A_259 = arith.cmpi slt, %div3A_38, %lt3A_258 : i32
        %convert_element_type3A_260 = arith.extui %lt3A_259 : i1 to i32
        %sub3A_261 = arith.subi %add3A_257, %convert_element_type3A_260 : i32
        %get3A_262 = arith.index_cast %sub3A_261 : i32 to index
        %get3A_263 = tpu.vector_load %arg4[%get3A_262] {strides = array<i32>} : memref<32736xf32, #tpu.memory_space<vmem>>, vector<16xf32>,
        %eq3A_264 = arith.constant 13 : i32
        %eq3A_265 = arith.cmpi eq, %div3A_38, %eq3A_264 : i32
        %broadcast_in_dim3A_266 = vector.broadcast %eq3A_265 : i1 to vector<16xi1>
        %select_n3A_267 = arith.select %broadcast_in_dim3A_266, %select_n3A, %get3A_263 : vector<16xi1>, vector<16xf32>
        %add3A_268 = arith.constant 208 : i32
        %add3A_269 = arith.addi %mul3A_42, %add3A_268 : i32
        %swap3A_270 = arith.index_cast %add3A_269 : i32 to index
        %swap3A_271 = tpu.vector_load %arg5[%swap3A_270] {strides = array<i32>} : memref<32768xf32, #tpu.memory_space<vmem>>, vector<16xf32>,
        tpu.vector_store %arg5[%swap3A_270], %select_n3A_267 {strides = array<i32>} : memref<32768xf32, #tpu.memory_space<vmem>>, vector<16xf32>,
        %add3A_272 = arith.constant 224 : i32
        %add3A_273 = arith.addi %mul3A_40, %add3A_272 : i32
        %lt3A_274 = arith.constant 14 : i32
        %lt3A_275 = arith.cmpi slt, %div3A_38, %lt3A_274 : i32
        %convert_element_type3A_276 = arith.extui %lt3A_275 : i1 to i32
        %sub3A_277 = arith.subi %add3A_273, %convert_element_type3A_276 : i32
        %get3A_278 = arith.index_cast %sub3A_277 : i32 to index
        %get3A_279 = tpu.vector_load %arg4[%get3A_278] {strides = array<i32>} : memref<32736xf32, #tpu.memory_space<vmem>>, vector<16xf32>,
        %eq3A_280 = arith.constant 14 : i32
        %eq3A_281 = arith.cmpi eq, %div3A_38, %eq3A_280 : i32
        %broadcast_in_dim3A_282 = vector.broadcast %eq3A_281 : i1 to vector<16xi1>
        %select_n3A_283 = arith.select %broadcast_in_dim3A_282, %select_n3A, %get3A_279 : vector<16xi1>, vector<16xf32>
        %add3A_284 = arith.constant 224 : i32
        %add3A_285 = arith.addi %mul3A_42, %add3A_284 : i32
        %swap3A_286 = arith.index_cast %add3A_285 : i32 to index
        %swap3A_287 = tpu.vector_load %arg5[%swap3A_286] {strides = array<i32>} : memref<32768xf32, #tpu.memory_space<vmem>>, vector<16xf32>,
        tpu.vector_store %arg5[%swap3A_286], %select_n3A_283 {strides = array<i32>} : memref<32768xf32, #tpu.memory_space<vmem>>, vector<16xf32>,
        %add3A_288 = arith.constant 240 : i32
        %add3A_289 = arith.addi %mul3A_40, %add3A_288 : i32
        %lt3A_290 = arith.constant 15 : i32
        %lt3A_291 = arith.cmpi slt, %div3A_38, %lt3A_290 : i32
        %convert_element_type3A_292 = arith.extui %lt3A_291 : i1 to i32
        %sub3A_293 = arith.subi %add3A_289, %convert_element_type3A_292 : i32
        %get3A_294 = arith.index_cast %sub3A_293 : i32 to index
        %get3A_295 = tpu.vector_load %arg4[%get3A_294] {strides = array<i32>} : memref<32736xf32, #tpu.memory_space<vmem>>, vector<16xf32>,
        %eq3A_296 = arith.constant 15 : i32
        %eq3A_297 = arith.cmpi eq, %div3A_38, %eq3A_296 : i32
        %broadcast_in_dim3A_298 = vector.broadcast %eq3A_297 : i1 to vector<16xi1>
        %select_n3A_299 = arith.select %broadcast_in_dim3A_298, %select_n3A, %get3A_295 : vector<16xi1>, vector<16xf32>
        %add3A_300 = arith.constant 240 : i32
        %add3A_301 = arith.addi %mul3A_42, %add3A_300 : i32
        %swap3A_302 = arith.index_cast %add3A_301 : i32 to index
        %swap3A_303 = tpu.vector_load %arg5[%swap3A_302] {strides = array<i32>} : memref<32768xf32, #tpu.memory_space<vmem>>, vector<16xf32>,
        tpu.vector_store %arg5[%swap3A_302], %select_n3A_299 {strides = array<i32>} : memref<32768xf32, #tpu.memory_space<vmem>>, vector<16xf32>,
        %add3A_304 = arith.constant 256 : i32
        %add3A_305 = arith.addi %mul3A_40, %add3A_304 : i32
        %lt3A_306 = arith.constant 16 : i32
        %lt3A_307 = arith.cmpi slt, %div3A_38, %lt3A_306 : i32
        %convert_element_type3A_308 = arith.extui %lt3A_307 : i1 to i32
        %sub3A_309 = arith.subi %add3A_305, %convert_element_type3A_308 : i32
        %get3A_310 = arith.index_cast %sub3A_309 : i32 to index
        %get3A_311 = tpu.vector_load %arg4[%get3A_310] {strides = array<i32>} : memref<32736xf32, #tpu.memory_space<vmem>>, vector<16xf32>,
        %eq3A_312 = arith.constant 16 : i32
        %eq3A_313 = arith.cmpi eq, %div3A_38, %eq3A_312 : i32
        %broadcast_in_dim3A_314 = vector.broadcast %eq3A_313 : i1 to vector<16xi1>
        %select_n3A_315 = arith.select %broadcast_in_dim3A_314, %select_n3A, %get3A_311 : vector<16xi1>, vector<16xf32>
        %add3A_316 = arith.constant 256 : i32
        %add3A_317 = arith.addi %mul3A_42, %add3A_316 : i32
        %swap3A_318 = arith.index_cast %add3A_317 : i32 to index
        %swap3A_319 = tpu.vector_load %arg5[%swap3A_318] {strides = array<i32>} : memref<32768xf32, #tpu.memory_space<vmem>>, vector<16xf32>,
        tpu.vector_store %arg5[%swap3A_318], %select_n3A_315 {strides = array<i32>} : memref<32768xf32, #tpu.memory_space<vmem>>, vector<16xf32>,
        %add3A_320 = arith.constant 272 : i32
        %add3A_321 = arith.addi %mul3A_40, %add3A_320 : i32
        %lt3A_322 = arith.constant 17 : i32
        %lt3A_323 = arith.cmpi slt, %div3A_38, %lt3A_322 : i32
        %convert_element_type3A_324 = arith.extui %lt3A_323 : i1 to i32
        %sub3A_325 = arith.subi %add3A_321, %convert_element_type3A_324 : i32
        %get3A_326 = arith.index_cast %sub3A_325 : i32 to index
        %get3A_327 = tpu.vector_load %arg4[%get3A_326] {strides = array<i32>} : memref<32736xf32, #tpu.memory_space<vmem>>, vector<16xf32>,
        %eq3A_328 = arith.constant 17 : i32
        %eq3A_329 = arith.cmpi eq, %div3A_38, %eq3A_328 : i32
        %broadcast_in_dim3A_330 = vector.broadcast %eq3A_329 : i1 to vector<16xi1>
        %select_n3A_331 = arith.select %broadcast_in_dim3A_330, %select_n3A, %get3A_327 : vector<16xi1>, vector<16xf32>
        %add3A_332 = arith.constant 272 : i32
        %add3A_333 = arith.addi %mul3A_42, %add3A_332 : i32
        %swap3A_334 = arith.index_cast %add3A_333 : i32 to index
        %swap3A_335 = tpu.vector_load %arg5[%swap3A_334] {strides = array<i32>} : memref<32768xf32, #tpu.memory_space<vmem>>, vector<16xf32>,
        tpu.vector_store %arg5[%swap3A_334], %select_n3A_331 {strides = array<i32>} : memref<32768xf32, #tpu.memory_space<vmem>>, vector<16xf32>,
        %add3A_336 = arith.constant 288 : i32
        %add3A_337 = arith.addi %mul3A_40, %add3A_336 : i32
        %lt3A_338 = arith.constant 18 : i32
        %lt3A_339 = arith.cmpi slt, %div3A_38, %lt3A_338 : i32
        %convert_element_type3A_340 = arith.extui %lt3A_339 : i1 to i32
        %sub3A_341 = arith.subi %add3A_337, %convert_element_type3A_340 : i32
        %get3A_342 = arith.index_cast %sub3A_341 : i32 to index
        %get3A_343 = tpu.vector_load %arg4[%get3A_342] {strides = array<i32>} : memref<32736xf32, #tpu.memory_space<vmem>>, vector<16xf32>,
        %eq3A_344 = arith.constant 18 : i32
        %eq3A_345 = arith.cmpi eq, %div3A_38, %eq3A_344 : i32
        %broadcast_in_dim3A_346 = vector.broadcast %eq3A_345 : i1 to vector<16xi1>
        %select_n3A_347 = arith.select %broadcast_in_dim3A_346, %select_n3A, %get3A_343 : vector<16xi1>, vector<16xf32>
        %add3A_348 = arith.constant 288 : i32
        %add3A_349 = arith.addi %mul3A_42, %add3A_348 : i32
        %swap3A_350 = arith.index_cast %add3A_349 : i32 to index
        %swap3A_351 = tpu.vector_load %arg5[%swap3A_350] {strides = array<i32>} : memref<32768xf32, #tpu.memory_space<vmem>>, vector<16xf32>,
        tpu.vector_store %arg5[%swap3A_350], %select_n3A_347 {strides = array<i32>} : memref<32768xf32, #tpu.memory_space<vmem>>, vector<16xf32>,
        %add3A_352 = arith.constant 304 : i32
        %add3A_353 = arith.addi %mul3A_40, %add3A_352 : i32
        %lt3A_354 = arith.constant 19 : i32
        %lt3A_355 = arith.cmpi slt, %div3A_38, %lt3A_354 : i32
        %convert_element_type3A_356 = arith.extui %lt3A_355 : i1 to i32
        %sub3A_357 = arith.subi %add3A_353, %convert_element_type3A_356 : i32
        %get3A_358 = arith.index_cast %sub3A_357 : i32 to index
        %get3A_359 = tpu.vector_load %arg4[%get3A_358] {strides = array<i32>} : memref<32736xf32, #tpu.memory_space<vmem>>, vector<16xf32>,
        %eq3A_360 = arith.constant 19 : i32
        %eq3A_361 = arith.cmpi eq, %div3A_38, %eq3A_360 : i32
        %broadcast_in_dim3A_362 = vector.broadcast %eq3A_361 : i1 to vector<16xi1>
        %select_n3A_363 = arith.select %broadcast_in_dim3A_362, %select_n3A, %get3A_359 : vector<16xi1>, vector<16xf32>
        %add3A_364 = arith.constant 304 : i32
        %add3A_365 = arith.addi %mul3A_42, %add3A_364 : i32
        %swap3A_366 = arith.index_cast %add3A_365 : i32 to index
        %swap3A_367 = tpu.vector_load %arg5[%swap3A_366] {strides = array<i32>} : memref<32768xf32, #tpu.memory_space<vmem>>, vector<16xf32>,
        tpu.vector_store %arg5[%swap3A_366], %select_n3A_363 {strides = array<i32>} : memref<32768xf32, #tpu.memory_space<vmem>>, vector<16xf32>,
        %add3A_368 = arith.constant 320 : i32
        %add3A_369 = arith.addi %mul3A_40, %add3A_368 : i32
        %lt3A_370 = arith.constant 20 : i32
        %lt3A_371 = arith.cmpi slt, %div3A_38, %lt3A_370 : i32
        %convert_element_type3A_372 = arith.extui %lt3A_371 : i1 to i32
        %sub3A_373 = arith.subi %add3A_369, %convert_element_type3A_372 : i32
        %get3A_374 = arith.index_cast %sub3A_373 : i32 to index
        %get3A_375 = tpu.vector_load %arg4[%get3A_374] {strides = array<i32>} : memref<32736xf32, #tpu.memory_space<vmem>>, vector<16xf32>,
        %eq3A_376 = arith.constant 20 : i32
        %eq3A_377 = arith.cmpi eq, %div3A_38, %eq3A_376 : i32
        %broadcast_in_dim3A_378 = vector.broadcast %eq3A_377 : i1 to vector<16xi1>
        %select_n3A_379 = arith.select %broadcast_in_dim3A_378, %select_n3A, %get3A_375 : vector<16xi1>, vector<16xf32>
        %add3A_380 = arith.constant 320 : i32
        %add3A_381 = arith.addi %mul3A_42, %add3A_380 : i32
        %swap3A_382 = arith.index_cast %add3A_381 : i32 to index
        %swap3A_383 = tpu.vector_load %arg5[%swap3A_382] {strides = array<i32>} : memref<32768xf32, #tpu.memory_space<vmem>>, vector<16xf32>,
        tpu.vector_store %arg5[%swap3A_382], %select_n3A_379 {strides = array<i32>} : memref<32768xf32, #tpu.memory_space<vmem>>, vector<16xf32>,
        %add3A_384 = arith.constant 336 : i32
        %add3A_385 = arith.addi %mul3A_40, %add3A_384 : i32
        %lt3A_386 = arith.constant 21 : i32
        %lt3A_387 = arith.cmpi slt, %div3A_38, %lt3A_386 : i32
        %convert_element_type3A_388 = arith.extui %lt3A_387 : i1 to i32
        %sub3A_389 = arith.subi %add3A_385, %convert_element_type3A_388 : i32
        %get3A_390 = arith.index_cast %sub3A_389 : i32 to index
        %get3A_391 = tpu.vector_load %arg4[%get3A_390] {strides = array<i32>} : memref<32736xf32, #tpu.memory_space<vmem>>, vector<16xf32>,
        %eq3A_392 = arith.constant 21 : i32
        %eq3A_393 = arith.cmpi eq, %div3A_38, %eq3A_392 : i32
        %broadcast_in_dim3A_394 = vector.broadcast %eq3A_393 : i1 to vector<16xi1>
        %select_n3A_395 = arith.select %broadcast_in_dim3A_394, %select_n3A, %get3A_391 : vector<16xi1>, vector<16xf32>
        %add3A_396 = arith.constant 336 : i32
        %add3A_397 = arith.addi %mul3A_42, %add3A_396 : i32
        %swap3A_398 = arith.index_cast %add3A_397 : i32 to index
        %swap3A_399 = tpu.vector_load %arg5[%swap3A_398] {strides = array<i32>} : memref<32768xf32, #tpu.memory_space<vmem>>, vector<16xf32>,
        tpu.vector_store %arg5[%swap3A_398], %select_n3A_395 {strides = array<i32>} : memref<32768xf32, #tpu.memory_space<vmem>>, vector<16xf32>,
        %add3A_400 = arith.constant 352 : i32
        %add3A_401 = arith.addi %mul3A_40, %add3A_400 : i32
        %lt3A_402 = arith.constant 22 : i32
        %lt3A_403 = arith.cmpi slt, %div3A_38, %lt3A_402 : i32
        %convert_element_type3A_404 = arith.extui %lt3A_403 : i1 to i32
        %sub3A_405 = arith.subi %add3A_401, %convert_element_type3A_404 : i32
        %get3A_406 = arith.index_cast %sub3A_405 : i32 to index
        %get3A_407 = tpu.vector_load %arg4[%get3A_406] {strides = array<i32>} : memref<32736xf32, #tpu.memory_space<vmem>>, vector<16xf32>,
        %eq3A_408 = arith.constant 22 : i32
        %eq3A_409 = arith.cmpi eq, %div3A_38, %eq3A_408 : i32
        %broadcast_in_dim3A_410 = vector.broadcast %eq3A_409 : i1 to vector<16xi1>
        %select_n3A_411 = arith.select %broadcast_in_dim3A_410, %select_n3A, %get3A_407 : vector<16xi1>, vector<16xf32>
        %add3A_412 = arith.constant 352 : i32
        %add3A_413 = arith.addi %mul3A_42, %add3A_412 : i32
        %swap3A_414 = arith.index_cast %add3A_413 : i32 to index
        %swap3A_415 = tpu.vector_load %arg5[%swap3A_414] {strides = array<i32>} : memref<32768xf32, #tpu.memory_space<vmem>>, vector<16xf32>,
        tpu.vector_store %arg5[%swap3A_414], %select_n3A_411 {strides = array<i32>} : memref<32768xf32, #tpu.memory_space<vmem>>, vector<16xf32>,
        %add3A_416 = arith.constant 368 : i32
        %add3A_417 = arith.addi %mul3A_40, %add3A_416 : i32
        %lt3A_418 = arith.constant 23 : i32
        %lt3A_419 = arith.cmpi slt, %div3A_38, %lt3A_418 : i32
        %convert_element_type3A_420 = arith.extui %lt3A_419 : i1 to i32
        %sub3A_421 = arith.subi %add3A_417, %convert_element_type3A_420 : i32
        %get3A_422 = arith.index_cast %sub3A_421 : i32 to index
        %get3A_423 = tpu.vector_load %arg4[%get3A_422] {strides = array<i32>} : memref<32736xf32, #tpu.memory_space<vmem>>, vector<16xf32>,
        %eq3A_424 = arith.constant 23 : i32
        %eq3A_425 = arith.cmpi eq, %div3A_38, %eq3A_424 : i32
        %broadcast_in_dim3A_426 = vector.broadcast %eq3A_425 : i1 to vector<16xi1>
        %select_n3A_427 = arith.select %broadcast_in_dim3A_426, %select_n3A, %get3A_423 : vector<16xi1>, vector<16xf32>
        %add3A_428 = arith.constant 368 : i32
        %add3A_429 = arith.addi %mul3A_42, %add3A_428 : i32
        %swap3A_430 = arith.index_cast %add3A_429 : i32 to index
        %swap3A_431 = tpu.vector_load %arg5[%swap3A_430] {strides = array<i32>} : memref<32768xf32, #tpu.memory_space<vmem>>, vector<16xf32>,
        tpu.vector_store %arg5[%swap3A_430], %select_n3A_427 {strides = array<i32>} : memref<32768xf32, #tpu.memory_space<vmem>>, vector<16xf32>,
        %add3A_432 = arith.constant 384 : i32
        %add3A_433 = arith.addi %mul3A_40, %add3A_432 : i32
        %lt3A_434 = arith.constant 24 : i32
        %lt3A_435 = arith.cmpi slt, %div3A_38, %lt3A_434 : i32
        %convert_element_type3A_436 = arith.extui %lt3A_435 : i1 to i32
        %sub3A_437 = arith.subi %add3A_433, %convert_element_type3A_436 : i32
        %get3A_438 = arith.index_cast %sub3A_437 : i32 to index
        %get3A_439 = tpu.vector_load %arg4[%get3A_438] {strides = array<i32>} : memref<32736xf32, #tpu.memory_space<vmem>>, vector<16xf32>,
        %eq3A_440 = arith.constant 24 : i32
        %eq3A_441 = arith.cmpi eq, %div3A_38, %eq3A_440 : i32
        %broadcast_in_dim3A_442 = vector.broadcast %eq3A_441 : i1 to vector<16xi1>
        %select_n3A_443 = arith.select %broadcast_in_dim3A_442, %select_n3A, %get3A_439 : vector<16xi1>, vector<16xf32>
        %add3A_444 = arith.constant 384 : i32
        %add3A_445 = arith.addi %mul3A_42, %add3A_444 : i32
        %swap3A_446 = arith.index_cast %add3A_445 : i32 to index
        %swap3A_447 = tpu.vector_load %arg5[%swap3A_446] {strides = array<i32>} : memref<32768xf32, #tpu.memory_space<vmem>>, vector<16xf32>,
        tpu.vector_store %arg5[%swap3A_446], %select_n3A_443 {strides = array<i32>} : memref<32768xf32, #tpu.memory_space<vmem>>, vector<16xf32>,
        %add3A_448 = arith.constant 400 : i32
        %add3A_449 = arith.addi %mul3A_40, %add3A_448 : i32
        %lt3A_450 = arith.constant 25 : i32
        %lt3A_451 = arith.cmpi slt, %div3A_38, %lt3A_450 : i32
        %convert_element_type3A_452 = arith.extui %lt3A_451 : i1 to i32
        %sub3A_453 = arith.subi %add3A_449, %convert_element_type3A_452 : i32
        %get3A_454 = arith.index_cast %sub3A_453 : i32 to index
        %get3A_455 = tpu.vector_load %arg4[%get3A_454] {strides = array<i32>} : memref<32736xf32, #tpu.memory_space<vmem>>, vector<16xf32>,
        %eq3A_456 = arith.constant 25 : i32
        %eq3A_457 = arith.cmpi eq, %div3A_38, %eq3A_456 : i32
        %broadcast_in_dim3A_458 = vector.broadcast %eq3A_457 : i1 to vector<16xi1>
        %select_n3A_459 = arith.select %broadcast_in_dim3A_458, %select_n3A, %get3A_455 : vector<16xi1>, vector<16xf32>
        %add3A_460 = arith.constant 400 : i32
        %add3A_461 = arith.addi %mul3A_42, %add3A_460 : i32
        %swap3A_462 = arith.index_cast %add3A_461 : i32 to index
        %swap3A_463 = tpu.vector_load %arg5[%swap3A_462] {strides = array<i32>} : memref<32768xf32, #tpu.memory_space<vmem>>, vector<16xf32>,
        tpu.vector_store %arg5[%swap3A_462], %select_n3A_459 {strides = array<i32>} : memref<32768xf32, #tpu.memory_space<vmem>>, vector<16xf32>,
        %add3A_464 = arith.constant 416 : i32
        %add3A_465 = arith.addi %mul3A_40, %add3A_464 : i32
        %lt3A_466 = arith.constant 26 : i32
        %lt3A_467 = arith.cmpi slt, %div3A_38, %lt3A_466 : i32
        %convert_element_type3A_468 = arith.extui %lt3A_467 : i1 to i32
        %sub3A_469 = arith.subi %add3A_465, %convert_element_type3A_468 : i32
        %get3A_470 = arith.index_cast %sub3A_469 : i32 to index
        %get3A_471 = tpu.vector_load %arg4[%get3A_470] {strides = array<i32>} : memref<32736xf32, #tpu.memory_space<vmem>>, vector<16xf32>,
        %eq3A_472 = arith.constant 26 : i32
        %eq3A_473 = arith.cmpi eq, %div3A_38, %eq3A_472 : i32
        %broadcast_in_dim3A_474 = vector.broadcast %eq3A_473 : i1 to vector<16xi1>
        %select_n3A_475 = arith.select %broadcast_in_dim3A_474, %select_n3A, %get3A_471 : vector<16xi1>, vector<16xf32>
        %add3A_476 = arith.constant 416 : i32
        %add3A_477 = arith.addi %mul3A_42, %add3A_476 : i32
        %swap3A_478 = arith.index_cast %add3A_477 : i32 to index
        %swap3A_479 = tpu.vector_load %arg5[%swap3A_478] {strides = array<i32>} : memref<32768xf32, #tpu.memory_space<vmem>>, vector<16xf32>,
        tpu.vector_store %arg5[%swap3A_478], %select_n3A_475 {strides = array<i32>} : memref<32768xf32, #tpu.memory_space<vmem>>, vector<16xf32>,
        %add3A_480 = arith.constant 432 : i32
        %add3A_481 = arith.addi %mul3A_40, %add3A_480 : i32
        %lt3A_482 = arith.constant 27 : i32
        %lt3A_483 = arith.cmpi slt, %div3A_38, %lt3A_482 : i32
        %convert_element_type3A_484 = arith.extui %lt3A_483 : i1 to i32
        %sub3A_485 = arith.subi %add3A_481, %convert_element_type3A_484 : i32
        %get3A_486 = arith.index_cast %sub3A_485 : i32 to index
        %get3A_487 = tpu.vector_load %arg4[%get3A_486] {strides = array<i32>} : memref<32736xf32, #tpu.memory_space<vmem>>, vector<16xf32>,
        %eq3A_488 = arith.constant 27 : i32
        %eq3A_489 = arith.cmpi eq, %div3A_38, %eq3A_488 : i32
        %broadcast_in_dim3A_490 = vector.broadcast %eq3A_489 : i1 to vector<16xi1>
        %select_n3A_491 = arith.select %broadcast_in_dim3A_490, %select_n3A, %get3A_487 : vector<16xi1>, vector<16xf32>
        %add3A_492 = arith.constant 432 : i32
        %add3A_493 = arith.addi %mul3A_42, %add3A_492 : i32
        %swap3A_494 = arith.index_cast %add3A_493 : i32 to index
        %swap3A_495 = tpu.vector_load %arg5[%swap3A_494] {strides = array<i32>} : memref<32768xf32, #tpu.memory_space<vmem>>, vector<16xf32>,
        tpu.vector_store %arg5[%swap3A_494], %select_n3A_491 {strides = array<i32>} : memref<32768xf32, #tpu.memory_space<vmem>>, vector<16xf32>,
        %add3A_496 = arith.constant 448 : i32
        %add3A_497 = arith.addi %mul3A_40, %add3A_496 : i32
        %lt3A_498 = arith.constant 28 : i32
        %lt3A_499 = arith.cmpi slt, %div3A_38, %lt3A_498 : i32
        %convert_element_type3A_500 = arith.extui %lt3A_499 : i1 to i32
        %sub3A_501 = arith.subi %add3A_497, %convert_element_type3A_500 : i32
        %get3A_502 = arith.index_cast %sub3A_501 : i32 to index
        %get3A_503 = tpu.vector_load %arg4[%get3A_502] {strides = array<i32>} : memref<32736xf32, #tpu.memory_space<vmem>>, vector<16xf32>,
        %eq3A_504 = arith.constant 28 : i32
        %eq3A_505 = arith.cmpi eq, %div3A_38, %eq3A_504 : i32
        %broadcast_in_dim3A_506 = vector.broadcast %eq3A_505 : i1 to vector<16xi1>
        %select_n3A_507 = arith.select %broadcast_in_dim3A_506, %select_n3A, %get3A_503 : vector<16xi1>, vector<16xf32>
        %add3A_508 = arith.constant 448 : i32
        %add3A_509 = arith.addi %mul3A_42, %add3A_508 : i32
        %swap3A_510 = arith.index_cast %add3A_509 : i32 to index
        %swap3A_511 = tpu.vector_load %arg5[%swap3A_510] {strides = array<i32>} : memref<32768xf32, #tpu.memory_space<vmem>>, vector<16xf32>,
        tpu.vector_store %arg5[%swap3A_510], %select_n3A_507 {strides = array<i32>} : memref<32768xf32, #tpu.memory_space<vmem>>, vector<16xf32>,
        %add3A_512 = arith.constant 464 : i32
        %add3A_513 = arith.addi %mul3A_40, %add3A_512 : i32
        %lt3A_514 = arith.constant 29 : i32
        %lt3A_515 = arith.cmpi slt, %div3A_38, %lt3A_514 : i32
        %convert_element_type3A_516 = arith.extui %lt3A_515 : i1 to i32
        %sub3A_517 = arith.subi %add3A_513, %convert_element_type3A_516 : i32
        %get3A_518 = arith.index_cast %sub3A_517 : i32 to index
        %get3A_519 = tpu.vector_load %arg4[%get3A_518] {strides = array<i32>} : memref<32736xf32, #tpu.memory_space<vmem>>, vector<16xf32>,
        %eq3A_520 = arith.constant 29 : i32
        %eq3A_521 = arith.cmpi eq, %div3A_38, %eq3A_520 : i32
        %broadcast_in_dim3A_522 = vector.broadcast %eq3A_521 : i1 to vector<16xi1>
        %select_n3A_523 = arith.select %broadcast_in_dim3A_522, %select_n3A, %get3A_519 : vector<16xi1>, vector<16xf32>
        %add3A_524 = arith.constant 464 : i32
        %add3A_525 = arith.addi %mul3A_42, %add3A_524 : i32
        %swap3A_526 = arith.index_cast %add3A_525 : i32 to index
        %swap3A_527 = tpu.vector_load %arg5[%swap3A_526] {strides = array<i32>} : memref<32768xf32, #tpu.memory_space<vmem>>, vector<16xf32>,
        tpu.vector_store %arg5[%swap3A_526], %select_n3A_523 {strides = array<i32>} : memref<32768xf32, #tpu.memory_space<vmem>>, vector<16xf32>,
        %add3A_528 = arith.constant 480 : i32
        %add3A_529 = arith.addi %mul3A_40, %add3A_528 : i32
        %lt3A_530 = arith.constant 30 : i32
        %lt3A_531 = arith.cmpi slt, %div3A_38, %lt3A_530 : i32
        %convert_element_type3A_532 = arith.extui %lt3A_531 : i1 to i32
        %sub3A_533 = arith.subi %add3A_529, %convert_element_type3A_532 : i32
        %get3A_534 = arith.index_cast %sub3A_533 : i32 to index
        %get3A_535 = tpu.vector_load %arg4[%get3A_534] {strides = array<i32>} : memref<32736xf32, #tpu.memory_space<vmem>>, vector<16xf32>,
        %eq3A_536 = arith.constant 30 : i32
        %eq3A_537 = arith.cmpi eq, %div3A_38, %eq3A_536 : i32
        %broadcast_in_dim3A_538 = vector.broadcast %eq3A_537 : i1 to vector<16xi1>
        %select_n3A_539 = arith.select %broadcast_in_dim3A_538, %select_n3A, %get3A_535 : vector<16xi1>, vector<16xf32>
        %add3A_540 = arith.constant 480 : i32
        %add3A_541 = arith.addi %mul3A_42, %add3A_540 : i32
        %swap3A_542 = arith.index_cast %add3A_541 : i32 to index
        %swap3A_543 = tpu.vector_load %arg5[%swap3A_542] {strides = array<i32>} : memref<32768xf32, #tpu.memory_space<vmem>>, vector<16xf32>,
        tpu.vector_store %arg5[%swap3A_542], %select_n3A_539 {strides = array<i32>} : memref<32768xf32, #tpu.memory_space<vmem>>, vector<16xf32>,
        %add3A_544 = arith.constant 496 : i32
        %add3A_545 = arith.addi %mul3A_40, %add3A_544 : i32
        %lt3A_546 = arith.constant 31 : i32
        %lt3A_547 = arith.cmpi slt, %div3A_38, %lt3A_546 : i32
        %convert_element_type3A_548 = arith.extui %lt3A_547 : i1 to i32
        %sub3A_549 = arith.subi %add3A_545, %convert_element_type3A_548 : i32
        %get3A_550 = arith.index_cast %sub3A_549 : i32 to index
        %get3A_551 = tpu.vector_load %arg4[%get3A_550] {strides = array<i32>} : memref<32736xf32, #tpu.memory_space<vmem>>, vector<16xf32>,
        %eq3A_552 = arith.constant 31 : i32
        %eq3A_553 = arith.cmpi eq, %div3A_38, %eq3A_552 : i32
        %broadcast_in_dim3A_554 = vector.broadcast %eq3A_553 : i1 to vector<16xi1>
        %select_n3A_555 = arith.select %broadcast_in_dim3A_554, %select_n3A, %get3A_551 : vector<16xi1>, vector<16xf32>
        %add3A_556 = arith.constant 496 : i32
        %add3A_557 = arith.addi %mul3A_42, %add3A_556 : i32
        %swap3A_558 = arith.index_cast %add3A_557 : i32 to index
        %swap3A_559 = tpu.vector_load %arg5[%swap3A_558] {strides = array<i32>} : memref<32768xf32, #tpu.memory_space<vmem>>, vector<16xf32>,
        tpu.vector_store %arg5[%swap3A_558], %select_n3A_555 {strides = array<i32>} : memref<32768xf32, #tpu.memory_space<vmem>>, vector<16xf32>,
        %add3A_560 = arith.constant 512 : i32
        %add3A_561 = arith.addi %mul3A_40, %add3A_560 : i32
        %lt3A_562 = arith.constant 32 : i32
        %lt3A_563 = arith.cmpi slt, %div3A_38, %lt3A_562 : i32
        %convert_element_type3A_564 = arith.extui %lt3A_563 : i1 to i32
        %sub3A_565 = arith.subi %add3A_561, %convert_element_type3A_564 : i32
        %get3A_566 = arith.index_cast %sub3A_565 : i32 to index
        %get3A_567 = tpu.vector_load %arg4[%get3A_566] {strides = array<i32>} : memref<32736xf32, #tpu.memory_space<vmem>>, vector<16xf32>,
        %eq3A_568 = arith.constant 32 : i32
        %eq3A_569 = arith.cmpi eq, %div3A_38, %eq3A_568 : i32
        %broadcast_in_dim3A_570 = vector.broadcast %eq3A_569 : i1 to vector<16xi1>
        %select_n3A_571 = arith.select %broadcast_in_dim3A_570, %select_n3A, %get3A_567 : vector<16xi1>, vector<16xf32>
        %add3A_572 = arith.constant 512 : i32
        %add3A_573 = arith.addi %mul3A_42, %add3A_572 : i32
        %swap3A_574 = arith.index_cast %add3A_573 : i32 to index
        %swap3A_575 = tpu.vector_load %arg5[%swap3A_574] {strides = array<i32>} : memref<32768xf32, #tpu.memory_space<vmem>>, vector<16xf32>,
        tpu.vector_store %arg5[%swap3A_574], %select_n3A_571 {strides = array<i32>} : memref<32768xf32, #tpu.memory_space<vmem>>, vector<16xf32>,
        %add3A_576 = arith.constant 528 : i32
        %add3A_577 = arith.addi %mul3A_40, %add3A_576 : i32
        %lt3A_578 = arith.constant 33 : i32
        %lt3A_579 = arith.cmpi slt, %div3A_38, %lt3A_578 : i32
        %convert_element_type3A_580 = arith.extui %lt3A_579 : i1 to i32
        %sub3A_581 = arith.subi %add3A_577, %convert_element_type3A_580 : i32
        %get3A_582 = arith.index_cast %sub3A_581 : i32 to index
        %get3A_583 = tpu.vector_load %arg4[%get3A_582] {strides = array<i32>} : memref<32736xf32, #tpu.memory_space<vmem>>, vector<16xf32>,
        %eq3A_584 = arith.constant 33 : i32
        %eq3A_585 = arith.cmpi eq, %div3A_38, %eq3A_584 : i32
        %broadcast_in_dim3A_586 = vector.broadcast %eq3A_585 : i1 to vector<16xi1>
        %select_n3A_587 = arith.select %broadcast_in_dim3A_586, %select_n3A, %get3A_583 : vector<16xi1>, vector<16xf32>
        %add3A_588 = arith.constant 528 : i32
        %add3A_589 = arith.addi %mul3A_42, %add3A_588 : i32
        %swap3A_590 = arith.index_cast %add3A_589 : i32 to index
        %swap3A_591 = tpu.vector_load %arg5[%swap3A_590] {strides = array<i32>} : memref<32768xf32, #tpu.memory_space<vmem>>, vector<16xf32>,
        tpu.vector_store %arg5[%swap3A_590], %select_n3A_587 {strides = array<i32>} : memref<32768xf32, #tpu.memory_space<vmem>>, vector<16xf32>,
        %add3A_592 = arith.constant 544 : i32
        %add3A_593 = arith.addi %mul3A_40, %add3A_592 : i32
        %lt3A_594 = arith.constant 34 : i32
        %lt3A_595 = arith.cmpi slt, %div3A_38, %lt3A_594 : i32
        %convert_element_type3A_596 = arith.extui %lt3A_595 : i1 to i32
        %sub3A_597 = arith.subi %add3A_593, %convert_element_type3A_596 : i32
        %get3A_598 = arith.index_cast %sub3A_597 : i32 to index
        %get3A_599 = tpu.vector_load %arg4[%get3A_598] {strides = array<i32>} : memref<32736xf32, #tpu.memory_space<vmem>>, vector<16xf32>,
        %eq3A_600 = arith.constant 34 : i32
        %eq3A_601 = arith.cmpi eq, %div3A_38, %eq3A_600 : i32
        %broadcast_in_dim3A_602 = vector.broadcast %eq3A_601 : i1 to vector<16xi1>
        %select_n3A_603 = arith.select %broadcast_in_dim3A_602, %select_n3A, %get3A_599 : vector<16xi1>, vector<16xf32>
        %add3A_604 = arith.constant 544 : i32
        %add3A_605 = arith.addi %mul3A_42, %add3A_604 : i32
        %swap3A_606 = arith.index_cast %add3A_605 : i32 to index
        %swap3A_607 = tpu.vector_load %arg5[%swap3A_606] {strides = array<i32>} : memref<32768xf32, #tpu.memory_space<vmem>>, vector<16xf32>,
        tpu.vector_store %arg5[%swap3A_606], %select_n3A_603 {strides = array<i32>} : memref<32768xf32, #tpu.memory_space<vmem>>, vector<16xf32>,
        %add3A_608 = arith.constant 560 : i32
        %add3A_609 = arith.addi %mul3A_40, %add3A_608 : i32
        %lt3A_610 = arith.constant 35 : i32
        %lt3A_611 = arith.cmpi slt, %div3A_38, %lt3A_610 : i32
        %convert_element_type3A_612 = arith.extui %lt3A_611 : i1 to i32
        %sub3A_613 = arith.subi %add3A_609, %convert_element_type3A_612 : i32
        %get3A_614 = arith.index_cast %sub3A_613 : i32 to index
        %get3A_615 = tpu.vector_load %arg4[%get3A_614] {strides = array<i32>} : memref<32736xf32, #tpu.memory_space<vmem>>, vector<16xf32>,
        %eq3A_616 = arith.constant 35 : i32
        %eq3A_617 = arith.cmpi eq, %div3A_38, %eq3A_616 : i32
        %broadcast_in_dim3A_618 = vector.broadcast %eq3A_617 : i1 to vector<16xi1>
        %select_n3A_619 = arith.select %broadcast_in_dim3A_618, %select_n3A, %get3A_615 : vector<16xi1>, vector<16xf32>
        %add3A_620 = arith.constant 560 : i32
        %add3A_621 = arith.addi %mul3A_42, %add3A_620 : i32
        %swap3A_622 = arith.index_cast %add3A_621 : i32 to index
        %swap3A_623 = tpu.vector_load %arg5[%swap3A_622] {strides = array<i32>} : memref<32768xf32, #tpu.memory_space<vmem>>, vector<16xf32>,
        tpu.vector_store %arg5[%swap3A_622], %select_n3A_619 {strides = array<i32>} : memref<32768xf32, #tpu.memory_space<vmem>>, vector<16xf32>,
        %add3A_624 = arith.constant 576 : i32
        %add3A_625 = arith.addi %mul3A_40, %add3A_624 : i32
        %lt3A_626 = arith.constant 36 : i32
        %lt3A_627 = arith.cmpi slt, %div3A_38, %lt3A_626 : i32
        %convert_element_type3A_628 = arith.extui %lt3A_627 : i1 to i32
        %sub3A_629 = arith.subi %add3A_625, %convert_element_type3A_628 : i32
        %get3A_630 = arith.index_cast %sub3A_629 : i32 to index
        %get3A_631 = tpu.vector_load %arg4[%get3A_630] {strides = array<i32>} : memref<32736xf32, #tpu.memory_space<vmem>>, vector<16xf32>,
        %eq3A_632 = arith.constant 36 : i32
        %eq3A_633 = arith.cmpi eq, %div3A_38, %eq3A_632 : i32
        %broadcast_in_dim3A_634 = vector.broadcast %eq3A_633 : i1 to vector<16xi1>
        %select_n3A_635 = arith.select %broadcast_in_dim3A_634, %select_n3A, %get3A_631 : vector<16xi1>, vector<16xf32>
        %add3A_636 = arith.constant 576 : i32
        %add3A_637 = arith.addi %mul3A_42, %add3A_636 : i32
        %swap3A_638 = arith.index_cast %add3A_637 : i32 to index
        %swap3A_639 = tpu.vector_load %arg5[%swap3A_638] {strides = array<i32>} : memref<32768xf32, #tpu.memory_space<vmem>>, vector<16xf32>,
        tpu.vector_store %arg5[%swap3A_638], %select_n3A_635 {strides = array<i32>} : memref<32768xf32, #tpu.memory_space<vmem>>, vector<16xf32>,
        %add3A_640 = arith.constant 592 : i32
        %add3A_641 = arith.addi %mul3A_40, %add3A_640 : i32
        %lt3A_642 = arith.constant 37 : i32
        %lt3A_643 = arith.cmpi slt, %div3A_38, %lt3A_642 : i32
        %convert_element_type3A_644 = arith.extui %lt3A_643 : i1 to i32
        %sub3A_645 = arith.subi %add3A_641, %convert_element_type3A_644 : i32
        %get3A_646 = arith.index_cast %sub3A_645 : i32 to index
        %get3A_647 = tpu.vector_load %arg4[%get3A_646] {strides = array<i32>} : memref<32736xf32, #tpu.memory_space<vmem>>, vector<16xf32>,
        %eq3A_648 = arith.constant 37 : i32
        %eq3A_649 = arith.cmpi eq, %div3A_38, %eq3A_648 : i32
        %broadcast_in_dim3A_650 = vector.broadcast %eq3A_649 : i1 to vector<16xi1>
        %select_n3A_651 = arith.select %broadcast_in_dim3A_650, %select_n3A, %get3A_647 : vector<16xi1>, vector<16xf32>
        %add3A_652 = arith.constant 592 : i32
        %add3A_653 = arith.addi %mul3A_42, %add3A_652 : i32
        %swap3A_654 = arith.index_cast %add3A_653 : i32 to index
        %swap3A_655 = tpu.vector_load %arg5[%swap3A_654] {strides = array<i32>} : memref<32768xf32, #tpu.memory_space<vmem>>, vector<16xf32>,
        tpu.vector_store %arg5[%swap3A_654], %select_n3A_651 {strides = array<i32>} : memref<32768xf32, #tpu.memory_space<vmem>>, vector<16xf32>,
        %add3A_656 = arith.constant 608 : i32
        %add3A_657 = arith.addi %mul3A_40, %add3A_656 : i32
        %lt3A_658 = arith.constant 38 : i32
        %lt3A_659 = arith.cmpi slt, %div3A_38, %lt3A_658 : i32
        %convert_element_type3A_660 = arith.extui %lt3A_659 : i1 to i32
        %sub3A_661 = arith.subi %add3A_657, %convert_element_type3A_660 : i32
        %get3A_662 = arith.index_cast %sub3A_661 : i32 to index
        %get3A_663 = tpu.vector_load %arg4[%get3A_662] {strides = array<i32>} : memref<32736xf32, #tpu.memory_space<vmem>>, vector<16xf32>,
        %eq3A_664 = arith.constant 38 : i32
        %eq3A_665 = arith.cmpi eq, %div3A_38, %eq3A_664 : i32
        %broadcast_in_dim3A_666 = vector.broadcast %eq3A_665 : i1 to vector<16xi1>
        %select_n3A_667 = arith.select %broadcast_in_dim3A_666, %select_n3A, %get3A_663 : vector<16xi1>, vector<16xf32>
        %add3A_668 = arith.constant 608 : i32
        %add3A_669 = arith.addi %mul3A_42, %add3A_668 : i32
        %swap3A_670 = arith.index_cast %add3A_669 : i32 to index
        %swap3A_671 = tpu.vector_load %arg5[%swap3A_670] {strides = array<i32>} : memref<32768xf32, #tpu.memory_space<vmem>>, vector<16xf32>,
        tpu.vector_store %arg5[%swap3A_670], %select_n3A_667 {strides = array<i32>} : memref<32768xf32, #tpu.memory_space<vmem>>, vector<16xf32>,
        %add3A_672 = arith.constant 624 : i32
        %add3A_673 = arith.addi %mul3A_40, %add3A_672 : i32
        %lt3A_674 = arith.constant 39 : i32
        %lt3A_675 = arith.cmpi slt, %div3A_38, %lt3A_674 : i32
        %convert_element_type3A_676 = arith.extui %lt3A_675 : i1 to i32
        %sub3A_677 = arith.subi %add3A_673, %convert_element_type3A_676 : i32
        %get3A_678 = arith.index_cast %sub3A_677 : i32 to index
        %get3A_679 = tpu.vector_load %arg4[%get3A_678] {strides = array<i32>} : memref<32736xf32, #tpu.memory_space<vmem>>, vector<16xf32>,
        %eq3A_680 = arith.constant 39 : i32
        %eq3A_681 = arith.cmpi eq, %div3A_38, %eq3A_680 : i32
        %broadcast_in_dim3A_682 = vector.broadcast %eq3A_681 : i1 to vector<16xi1>
        %select_n3A_683 = arith.select %broadcast_in_dim3A_682, %select_n3A, %get3A_679 : vector<16xi1>, vector<16xf32>
        %add3A_684 = arith.constant 624 : i32
        %add3A_685 = arith.addi %mul3A_42, %add3A_684 : i32
        %swap3A_686 = arith.index_cast %add3A_685 : i32 to index
        %swap3A_687 = tpu.vector_load %arg5[%swap3A_686] {strides = array<i32>} : memref<32768xf32, #tpu.memory_space<vmem>>, vector<16xf32>,
        tpu.vector_store %arg5[%swap3A_686], %select_n3A_683 {strides = array<i32>} : memref<32768xf32, #tpu.memory_space<vmem>>, vector<16xf32>,
        %add3A_688 = arith.constant 640 : i32
        %add3A_689 = arith.addi %mul3A_40, %add3A_688 : i32
        %lt3A_690 = arith.constant 40 : i32
        %lt3A_691 = arith.cmpi slt, %div3A_38, %lt3A_690 : i32
        %convert_element_type3A_692 = arith.extui %lt3A_691 : i1 to i32
        %sub3A_693 = arith.subi %add3A_689, %convert_element_type3A_692 : i32
        %get3A_694 = arith.index_cast %sub3A_693 : i32 to index
        %get3A_695 = tpu.vector_load %arg4[%get3A_694] {strides = array<i32>} : memref<32736xf32, #tpu.memory_space<vmem>>, vector<16xf32>,
        %eq3A_696 = arith.constant 40 : i32
        %eq3A_697 = arith.cmpi eq, %div3A_38, %eq3A_696 : i32
        %broadcast_in_dim3A_698 = vector.broadcast %eq3A_697 : i1 to vector<16xi1>
        %select_n3A_699 = arith.select %broadcast_in_dim3A_698, %select_n3A, %get3A_695 : vector<16xi1>, vector<16xf32>
        %add3A_700 = arith.constant 640 : i32
        %add3A_701 = arith.addi %mul3A_42, %add3A_700 : i32
        %swap3A_702 = arith.index_cast %add3A_701 : i32 to index
        %swap3A_703 = tpu.vector_load %arg5[%swap3A_702] {strides = array<i32>} : memref<32768xf32, #tpu.memory_space<vmem>>, vector<16xf32>,
        tpu.vector_store %arg5[%swap3A_702], %select_n3A_699 {strides = array<i32>} : memref<32768xf32, #tpu.memory_space<vmem>>, vector<16xf32>,
        %add3A_704 = arith.constant 656 : i32
        %add3A_705 = arith.addi %mul3A_40, %add3A_704 : i32
        %lt3A_706 = arith.constant 41 : i32
        %lt3A_707 = arith.cmpi slt, %div3A_38, %lt3A_706 : i32
        %convert_element_type3A_708 = arith.extui %lt3A_707 : i1 to i32
        %sub3A_709 = arith.subi %add3A_705, %convert_element_type3A_708 : i32
        %get3A_710 = arith.index_cast %sub3A_709 : i32 to index
        %get3A_711 = tpu.vector_load %arg4[%get3A_710] {strides = array<i32>} : memref<32736xf32, #tpu.memory_space<vmem>>, vector<16xf32>,
        %eq3A_712 = arith.constant 41 : i32
        %eq3A_713 = arith.cmpi eq, %div3A_38, %eq3A_712 : i32
        %broadcast_in_dim3A_714 = vector.broadcast %eq3A_713 : i1 to vector<16xi1>
        %select_n3A_715 = arith.select %broadcast_in_dim3A_714, %select_n3A, %get3A_711 : vector<16xi1>, vector<16xf32>
        %add3A_716 = arith.constant 656 : i32
        %add3A_717 = arith.addi %mul3A_42, %add3A_716 : i32
        %swap3A_718 = arith.index_cast %add3A_717 : i32 to index
        %swap3A_719 = tpu.vector_load %arg5[%swap3A_718] {strides = array<i32>} : memref<32768xf32, #tpu.memory_space<vmem>>, vector<16xf32>,
        tpu.vector_store %arg5[%swap3A_718], %select_n3A_715 {strides = array<i32>} : memref<32768xf32, #tpu.memory_space<vmem>>, vector<16xf32>,
        %add3A_720 = arith.constant 672 : i32
        %add3A_721 = arith.addi %mul3A_40, %add3A_720 : i32
        %lt3A_722 = arith.constant 42 : i32
        %lt3A_723 = arith.cmpi slt, %div3A_38, %lt3A_722 : i32
        %convert_element_type3A_724 = arith.extui %lt3A_723 : i1 to i32
        %sub3A_725 = arith.subi %add3A_721, %convert_element_type3A_724 : i32
        %get3A_726 = arith.index_cast %sub3A_725 : i32 to index
        %get3A_727 = tpu.vector_load %arg4[%get3A_726] {strides = array<i32>} : memref<32736xf32, #tpu.memory_space<vmem>>, vector<16xf32>,
        %eq3A_728 = arith.constant 42 : i32
        %eq3A_729 = arith.cmpi eq, %div3A_38, %eq3A_728 : i32
        %broadcast_in_dim3A_730 = vector.broadcast %eq3A_729 : i1 to vector<16xi1>
        %select_n3A_731 = arith.select %broadcast_in_dim3A_730, %select_n3A, %get3A_727 : vector<16xi1>, vector<16xf32>
        %add3A_732 = arith.constant 672 : i32
        %add3A_733 = arith.addi %mul3A_42, %add3A_732 : i32
        %swap3A_734 = arith.index_cast %add3A_733 : i32 to index
        %swap3A_735 = tpu.vector_load %arg5[%swap3A_734] {strides = array<i32>} : memref<32768xf32, #tpu.memory_space<vmem>>, vector<16xf32>,
        tpu.vector_store %arg5[%swap3A_734], %select_n3A_731 {strides = array<i32>} : memref<32768xf32, #tpu.memory_space<vmem>>, vector<16xf32>,
        %add3A_736 = arith.constant 688 : i32
        %add3A_737 = arith.addi %mul3A_40, %add3A_736 : i32
        %lt3A_738 = arith.constant 43 : i32
        %lt3A_739 = arith.cmpi slt, %div3A_38, %lt3A_738 : i32
        %convert_element_type3A_740 = arith.extui %lt3A_739 : i1 to i32
        %sub3A_741 = arith.subi %add3A_737, %convert_element_type3A_740 : i32
        %get3A_742 = arith.index_cast %sub3A_741 : i32 to index
        %get3A_743 = tpu.vector_load %arg4[%get3A_742] {strides = array<i32>} : memref<32736xf32, #tpu.memory_space<vmem>>, vector<16xf32>,
        %eq3A_744 = arith.constant 43 : i32
        %eq3A_745 = arith.cmpi eq, %div3A_38, %eq3A_744 : i32
        %broadcast_in_dim3A_746 = vector.broadcast %eq3A_745 : i1 to vector<16xi1>
        %select_n3A_747 = arith.select %broadcast_in_dim3A_746, %select_n3A, %get3A_743 : vector<16xi1>, vector<16xf32>
        %add3A_748 = arith.constant 688 : i32
        %add3A_749 = arith.addi %mul3A_42, %add3A_748 : i32
        %swap3A_750 = arith.index_cast %add3A_749 : i32 to index
        %swap3A_751 = tpu.vector_load %arg5[%swap3A_750] {strides = array<i32>} : memref<32768xf32, #tpu.memory_space<vmem>>, vector<16xf32>,
        tpu.vector_store %arg5[%swap3A_750], %select_n3A_747 {strides = array<i32>} : memref<32768xf32, #tpu.memory_space<vmem>>, vector<16xf32>,
        %add3A_752 = arith.constant 704 : i32
        %add3A_753 = arith.addi %mul3A_40, %add3A_752 : i32
        %lt3A_754 = arith.constant 44 : i32
        %lt3A_755 = arith.cmpi slt, %div3A_38, %lt3A_754 : i32
        %convert_element_type3A_756 = arith.extui %lt3A_755 : i1 to i32
        %sub3A_757 = arith.subi %add3A_753, %convert_element_type3A_756 : i32
        %get3A_758 = arith.index_cast %sub3A_757 : i32 to index
        %get3A_759 = tpu.vector_load %arg4[%get3A_758] {strides = array<i32>} : memref<32736xf32, #tpu.memory_space<vmem>>, vector<16xf32>,
        %eq3A_760 = arith.constant 44 : i32
        %eq3A_761 = arith.cmpi eq, %div3A_38, %eq3A_760 : i32
        %broadcast_in_dim3A_762 = vector.broadcast %eq3A_761 : i1 to vector<16xi1>
        %select_n3A_763 = arith.select %broadcast_in_dim3A_762, %select_n3A, %get3A_759 : vector<16xi1>, vector<16xf32>
        %add3A_764 = arith.constant 704 : i32
        %add3A_765 = arith.addi %mul3A_42, %add3A_764 : i32
        %swap3A_766 = arith.index_cast %add3A_765 : i32 to index
        %swap3A_767 = tpu.vector_load %arg5[%swap3A_766] {strides = array<i32>} : memref<32768xf32, #tpu.memory_space<vmem>>, vector<16xf32>,
        tpu.vector_store %arg5[%swap3A_766], %select_n3A_763 {strides = array<i32>} : memref<32768xf32, #tpu.memory_space<vmem>>, vector<16xf32>,
        %add3A_768 = arith.constant 720 : i32
        %add3A_769 = arith.addi %mul3A_40, %add3A_768 : i32
        %lt3A_770 = arith.constant 45 : i32
        %lt3A_771 = arith.cmpi slt, %div3A_38, %lt3A_770 : i32
        %convert_element_type3A_772 = arith.extui %lt3A_771 : i1 to i32
        %sub3A_773 = arith.subi %add3A_769, %convert_element_type3A_772 : i32
        %get3A_774 = arith.index_cast %sub3A_773 : i32 to index
        %get3A_775 = tpu.vector_load %arg4[%get3A_774] {strides = array<i32>} : memref<32736xf32, #tpu.memory_space<vmem>>, vector<16xf32>,
        %eq3A_776 = arith.constant 45 : i32
        %eq3A_777 = arith.cmpi eq, %div3A_38, %eq3A_776 : i32
        %broadcast_in_dim3A_778 = vector.broadcast %eq3A_777 : i1 to vector<16xi1>
        %select_n3A_779 = arith.select %broadcast_in_dim3A_778, %select_n3A, %get3A_775 : vector<16xi1>, vector<16xf32>
        %add3A_780 = arith.constant 720 : i32
        %add3A_781 = arith.addi %mul3A_42, %add3A_780 : i32
        %swap3A_782 = arith.index_cast %add3A_781 : i32 to index
        %swap3A_783 = tpu.vector_load %arg5[%swap3A_782] {strides = array<i32>} : memref<32768xf32, #tpu.memory_space<vmem>>, vector<16xf32>,
        tpu.vector_store %arg5[%swap3A_782], %select_n3A_779 {strides = array<i32>} : memref<32768xf32, #tpu.memory_space<vmem>>, vector<16xf32>,
        %add3A_784 = arith.constant 736 : i32
        %add3A_785 = arith.addi %mul3A_40, %add3A_784 : i32
        %lt3A_786 = arith.constant 46 : i32
        %lt3A_787 = arith.cmpi slt, %div3A_38, %lt3A_786 : i32
        %convert_element_type3A_788 = arith.extui %lt3A_787 : i1 to i32
        %sub3A_789 = arith.subi %add3A_785, %convert_element_type3A_788 : i32
        %get3A_790 = arith.index_cast %sub3A_789 : i32 to index
        %get3A_791 = tpu.vector_load %arg4[%get3A_790] {strides = array<i32>} : memref<32736xf32, #tpu.memory_space<vmem>>, vector<16xf32>,
        %eq3A_792 = arith.constant 46 : i32
        %eq3A_793 = arith.cmpi eq, %div3A_38, %eq3A_792 : i32
        %broadcast_in_dim3A_794 = vector.broadcast %eq3A_793 : i1 to vector<16xi1>
        %select_n3A_795 = arith.select %broadcast_in_dim3A_794, %select_n3A, %get3A_791 : vector<16xi1>, vector<16xf32>
        %add3A_796 = arith.constant 736 : i32
        %add3A_797 = arith.addi %mul3A_42, %add3A_796 : i32
        %swap3A_798 = arith.index_cast %add3A_797 : i32 to index
        %swap3A_799 = tpu.vector_load %arg5[%swap3A_798] {strides = array<i32>} : memref<32768xf32, #tpu.memory_space<vmem>>, vector<16xf32>,
        tpu.vector_store %arg5[%swap3A_798], %select_n3A_795 {strides = array<i32>} : memref<32768xf32, #tpu.memory_space<vmem>>, vector<16xf32>,
        %add3A_800 = arith.constant 752 : i32
        %add3A_801 = arith.addi %mul3A_40, %add3A_800 : i32
        %lt3A_802 = arith.constant 47 : i32
        %lt3A_803 = arith.cmpi slt, %div3A_38, %lt3A_802 : i32
        %convert_element_type3A_804 = arith.extui %lt3A_803 : i1 to i32
        %sub3A_805 = arith.subi %add3A_801, %convert_element_type3A_804 : i32
        %get3A_806 = arith.index_cast %sub3A_805 : i32 to index
        %get3A_807 = tpu.vector_load %arg4[%get3A_806] {strides = array<i32>} : memref<32736xf32, #tpu.memory_space<vmem>>, vector<16xf32>,
        %eq3A_808 = arith.constant 47 : i32
        %eq3A_809 = arith.cmpi eq, %div3A_38, %eq3A_808 : i32
        %broadcast_in_dim3A_810 = vector.broadcast %eq3A_809 : i1 to vector<16xi1>
        %select_n3A_811 = arith.select %broadcast_in_dim3A_810, %select_n3A, %get3A_807 : vector<16xi1>, vector<16xf32>
        %add3A_812 = arith.constant 752 : i32
        %add3A_813 = arith.addi %mul3A_42, %add3A_812 : i32
        %swap3A_814 = arith.index_cast %add3A_813 : i32 to index
        %swap3A_815 = tpu.vector_load %arg5[%swap3A_814] {strides = array<i32>} : memref<32768xf32, #tpu.memory_space<vmem>>, vector<16xf32>,
        tpu.vector_store %arg5[%swap3A_814], %select_n3A_811 {strides = array<i32>} : memref<32768xf32, #tpu.memory_space<vmem>>, vector<16xf32>,
        %add3A_816 = arith.constant 768 : i32
        %add3A_817 = arith.addi %mul3A_40, %add3A_816 : i32
        %lt3A_818 = arith.constant 48 : i32
        %lt3A_819 = arith.cmpi slt, %div3A_38, %lt3A_818 : i32
        %convert_element_type3A_820 = arith.extui %lt3A_819 : i1 to i32
        %sub3A_821 = arith.subi %add3A_817, %convert_element_type3A_820 : i32
        %get3A_822 = arith.index_cast %sub3A_821 : i32 to index
        %get3A_823 = tpu.vector_load %arg4[%get3A_822] {strides = array<i32>} : memref<32736xf32, #tpu.memory_space<vmem>>, vector<16xf32>,
        %eq3A_824 = arith.constant 48 : i32
        %eq3A_825 = arith.cmpi eq, %div3A_38, %eq3A_824 : i32
        %broadcast_in_dim3A_826 = vector.broadcast %eq3A_825 : i1 to vector<16xi1>
        %select_n3A_827 = arith.select %broadcast_in_dim3A_826, %select_n3A, %get3A_823 : vector<16xi1>, vector<16xf32>
        %add3A_828 = arith.constant 768 : i32
        %add3A_829 = arith.addi %mul3A_42, %add3A_828 : i32
        %swap3A_830 = arith.index_cast %add3A_829 : i32 to index
        %swap3A_831 = tpu.vector_load %arg5[%swap3A_830] {strides = array<i32>} : memref<32768xf32, #tpu.memory_space<vmem>>, vector<16xf32>,
        tpu.vector_store %arg5[%swap3A_830], %select_n3A_827 {strides = array<i32>} : memref<32768xf32, #tpu.memory_space<vmem>>, vector<16xf32>,
        %add3A_832 = arith.constant 784 : i32
        %add3A_833 = arith.addi %mul3A_40, %add3A_832 : i32
        %lt3A_834 = arith.constant 49 : i32
        %lt3A_835 = arith.cmpi slt, %div3A_38, %lt3A_834 : i32
        %convert_element_type3A_836 = arith.extui %lt3A_835 : i1 to i32
        %sub3A_837 = arith.subi %add3A_833, %convert_element_type3A_836 : i32
        %get3A_838 = arith.index_cast %sub3A_837 : i32 to index
        %get3A_839 = tpu.vector_load %arg4[%get3A_838] {strides = array<i32>} : memref<32736xf32, #tpu.memory_space<vmem>>, vector<16xf32>,
        %eq3A_840 = arith.constant 49 : i32
        %eq3A_841 = arith.cmpi eq, %div3A_38, %eq3A_840 : i32
        %broadcast_in_dim3A_842 = vector.broadcast %eq3A_841 : i1 to vector<16xi1>
        %select_n3A_843 = arith.select %broadcast_in_dim3A_842, %select_n3A, %get3A_839 : vector<16xi1>, vector<16xf32>
        %add3A_844 = arith.constant 784 : i32
        %add3A_845 = arith.addi %mul3A_42, %add3A_844 : i32
        %swap3A_846 = arith.index_cast %add3A_845 : i32 to index
        %swap3A_847 = tpu.vector_load %arg5[%swap3A_846] {strides = array<i32>} : memref<32768xf32, #tpu.memory_space<vmem>>, vector<16xf32>,
        tpu.vector_store %arg5[%swap3A_846], %select_n3A_843 {strides = array<i32>} : memref<32768xf32, #tpu.memory_space<vmem>>, vector<16xf32>,
        %add3A_848 = arith.constant 800 : i32
        %add3A_849 = arith.addi %mul3A_40, %add3A_848 : i32
        %lt3A_850 = arith.constant 50 : i32
        %lt3A_851 = arith.cmpi slt, %div3A_38, %lt3A_850 : i32
        %convert_element_type3A_852 = arith.extui %lt3A_851 : i1 to i32
        %sub3A_853 = arith.subi %add3A_849, %convert_element_type3A_852 : i32
        %get3A_854 = arith.index_cast %sub3A_853 : i32 to index
        %get3A_855 = tpu.vector_load %arg4[%get3A_854] {strides = array<i32>} : memref<32736xf32, #tpu.memory_space<vmem>>, vector<16xf32>,
        %eq3A_856 = arith.constant 50 : i32
        %eq3A_857 = arith.cmpi eq, %div3A_38, %eq3A_856 : i32
        %broadcast_in_dim3A_858 = vector.broadcast %eq3A_857 : i1 to vector<16xi1>
        %select_n3A_859 = arith.select %broadcast_in_dim3A_858, %select_n3A, %get3A_855 : vector<16xi1>, vector<16xf32>
        %add3A_860 = arith.constant 800 : i32
        %add3A_861 = arith.addi %mul3A_42, %add3A_860 : i32
        %swap3A_862 = arith.index_cast %add3A_861 : i32 to index
        %swap3A_863 = tpu.vector_load %arg5[%swap3A_862] {strides = array<i32>} : memref<32768xf32, #tpu.memory_space<vmem>>, vector<16xf32>,
        tpu.vector_store %arg5[%swap3A_862], %select_n3A_859 {strides = array<i32>} : memref<32768xf32, #tpu.memory_space<vmem>>, vector<16xf32>,
        %add3A_864 = arith.constant 816 : i32
        %add3A_865 = arith.addi %mul3A_40, %add3A_864 : i32
        %lt3A_866 = arith.constant 51 : i32
        %lt3A_867 = arith.cmpi slt, %div3A_38, %lt3A_866 : i32
        %convert_element_type3A_868 = arith.extui %lt3A_867 : i1 to i32
        %sub3A_869 = arith.subi %add3A_865, %convert_element_type3A_868 : i32
        %get3A_870 = arith.index_cast %sub3A_869 : i32 to index
        %get3A_871 = tpu.vector_load %arg4[%get3A_870] {strides = array<i32>} : memref<32736xf32, #tpu.memory_space<vmem>>, vector<16xf32>,
        %eq3A_872 = arith.constant 51 : i32
        %eq3A_873 = arith.cmpi eq, %div3A_38, %eq3A_872 : i32
        %broadcast_in_dim3A_874 = vector.broadcast %eq3A_873 : i1 to vector<16xi1>
        %select_n3A_875 = arith.select %broadcast_in_dim3A_874, %select_n3A, %get3A_871 : vector<16xi1>, vector<16xf32>
        %add3A_876 = arith.constant 816 : i32
        %add3A_877 = arith.addi %mul3A_42, %add3A_876 : i32
        %swap3A_878 = arith.index_cast %add3A_877 : i32 to index
        %swap3A_879 = tpu.vector_load %arg5[%swap3A_878] {strides = array<i32>} : memref<32768xf32, #tpu.memory_space<vmem>>, vector<16xf32>,
        tpu.vector_store %arg5[%swap3A_878], %select_n3A_875 {strides = array<i32>} : memref<32768xf32, #tpu.memory_space<vmem>>, vector<16xf32>,
        %add3A_880 = arith.constant 832 : i32
        %add3A_881 = arith.addi %mul3A_40, %add3A_880 : i32
        %lt3A_882 = arith.constant 52 : i32
        %lt3A_883 = arith.cmpi slt, %div3A_38, %lt3A_882 : i32
        %convert_element_type3A_884 = arith.extui %lt3A_883 : i1 to i32
        %sub3A_885 = arith.subi %add3A_881, %convert_element_type3A_884 : i32
        %get3A_886 = arith.index_cast %sub3A_885 : i32 to index
        %get3A_887 = tpu.vector_load %arg4[%get3A_886] {strides = array<i32>} : memref<32736xf32, #tpu.memory_space<vmem>>, vector<16xf32>,
        %eq3A_888 = arith.constant 52 : i32
        %eq3A_889 = arith.cmpi eq, %div3A_38, %eq3A_888 : i32
        %broadcast_in_dim3A_890 = vector.broadcast %eq3A_889 : i1 to vector<16xi1>
        %select_n3A_891 = arith.select %broadcast_in_dim3A_890, %select_n3A, %get3A_887 : vector<16xi1>, vector<16xf32>
        %add3A_892 = arith.constant 832 : i32
        %add3A_893 = arith.addi %mul3A_42, %add3A_892 : i32
        %swap3A_894 = arith.index_cast %add3A_893 : i32 to index
        %swap3A_895 = tpu.vector_load %arg5[%swap3A_894] {strides = array<i32>} : memref<32768xf32, #tpu.memory_space<vmem>>, vector<16xf32>,
        tpu.vector_store %arg5[%swap3A_894], %select_n3A_891 {strides = array<i32>} : memref<32768xf32, #tpu.memory_space<vmem>>, vector<16xf32>,
        %add3A_896 = arith.constant 848 : i32
        %add3A_897 = arith.addi %mul3A_40, %add3A_896 : i32
        %lt3A_898 = arith.constant 53 : i32
        %lt3A_899 = arith.cmpi slt, %div3A_38, %lt3A_898 : i32
        %convert_element_type3A_900 = arith.extui %lt3A_899 : i1 to i32
        %sub3A_901 = arith.subi %add3A_897, %convert_element_type3A_900 : i32
        %get3A_902 = arith.index_cast %sub3A_901 : i32 to index
        %get3A_903 = tpu.vector_load %arg4[%get3A_902] {strides = array<i32>} : memref<32736xf32, #tpu.memory_space<vmem>>, vector<16xf32>,
        %eq3A_904 = arith.constant 53 : i32
        %eq3A_905 = arith.cmpi eq, %div3A_38, %eq3A_904 : i32
        %broadcast_in_dim3A_906 = vector.broadcast %eq3A_905 : i1 to vector<16xi1>
        %select_n3A_907 = arith.select %broadcast_in_dim3A_906, %select_n3A, %get3A_903 : vector<16xi1>, vector<16xf32>
        %add3A_908 = arith.constant 848 : i32
        %add3A_909 = arith.addi %mul3A_42, %add3A_908 : i32
        %swap3A_910 = arith.index_cast %add3A_909 : i32 to index
        %swap3A_911 = tpu.vector_load %arg5[%swap3A_910] {strides = array<i32>} : memref<32768xf32, #tpu.memory_space<vmem>>, vector<16xf32>,
        tpu.vector_store %arg5[%swap3A_910], %select_n3A_907 {strides = array<i32>} : memref<32768xf32, #tpu.memory_space<vmem>>, vector<16xf32>,
        %add3A_912 = arith.constant 864 : i32
        %add3A_913 = arith.addi %mul3A_40, %add3A_912 : i32
        %lt3A_914 = arith.constant 54 : i32
        %lt3A_915 = arith.cmpi slt, %div3A_38, %lt3A_914 : i32
        %convert_element_type3A_916 = arith.extui %lt3A_915 : i1 to i32
        %sub3A_917 = arith.subi %add3A_913, %convert_element_type3A_916 : i32
        %get3A_918 = arith.index_cast %sub3A_917 : i32 to index
        %get3A_919 = tpu.vector_load %arg4[%get3A_918] {strides = array<i32>} : memref<32736xf32, #tpu.memory_space<vmem>>, vector<16xf32>,
        %eq3A_920 = arith.constant 54 : i32
        %eq3A_921 = arith.cmpi eq, %div3A_38, %eq3A_920 : i32
        %broadcast_in_dim3A_922 = vector.broadcast %eq3A_921 : i1 to vector<16xi1>
        %select_n3A_923 = arith.select %broadcast_in_dim3A_922, %select_n3A, %get3A_919 : vector<16xi1>, vector<16xf32>
        %add3A_924 = arith.constant 864 : i32
        %add3A_925 = arith.addi %mul3A_42, %add3A_924 : i32
        %swap3A_926 = arith.index_cast %add3A_925 : i32 to index
        %swap3A_927 = tpu.vector_load %arg5[%swap3A_926] {strides = array<i32>} : memref<32768xf32, #tpu.memory_space<vmem>>, vector<16xf32>,
        tpu.vector_store %arg5[%swap3A_926], %select_n3A_923 {strides = array<i32>} : memref<32768xf32, #tpu.memory_space<vmem>>, vector<16xf32>,
        %add3A_928 = arith.constant 880 : i32
        %add3A_929 = arith.addi %mul3A_40, %add3A_928 : i32
        %lt3A_930 = arith.constant 55 : i32
        %lt3A_931 = arith.cmpi slt, %div3A_38, %lt3A_930 : i32
        %convert_element_type3A_932 = arith.extui %lt3A_931 : i1 to i32
        %sub3A_933 = arith.subi %add3A_929, %convert_element_type3A_932 : i32
        %get3A_934 = arith.index_cast %sub3A_933 : i32 to index
        %get3A_935 = tpu.vector_load %arg4[%get3A_934] {strides = array<i32>} : memref<32736xf32, #tpu.memory_space<vmem>>, vector<16xf32>,
        %eq3A_936 = arith.constant 55 : i32
        %eq3A_937 = arith.cmpi eq, %div3A_38, %eq3A_936 : i32
        %broadcast_in_dim3A_938 = vector.broadcast %eq3A_937 : i1 to vector<16xi1>
        %select_n3A_939 = arith.select %broadcast_in_dim3A_938, %select_n3A, %get3A_935 : vector<16xi1>, vector<16xf32>
        %add3A_940 = arith.constant 880 : i32
        %add3A_941 = arith.addi %mul3A_42, %add3A_940 : i32
        %swap3A_942 = arith.index_cast %add3A_941 : i32 to index
        %swap3A_943 = tpu.vector_load %arg5[%swap3A_942] {strides = array<i32>} : memref<32768xf32, #tpu.memory_space<vmem>>, vector<16xf32>,
        tpu.vector_store %arg5[%swap3A_942], %select_n3A_939 {strides = array<i32>} : memref<32768xf32, #tpu.memory_space<vmem>>, vector<16xf32>,
        %add3A_944 = arith.constant 896 : i32
        %add3A_945 = arith.addi %mul3A_40, %add3A_944 : i32
        %lt3A_946 = arith.constant 56 : i32
        %lt3A_947 = arith.cmpi slt, %div3A_38, %lt3A_946 : i32
        %convert_element_type3A_948 = arith.extui %lt3A_947 : i1 to i32
        %sub3A_949 = arith.subi %add3A_945, %convert_element_type3A_948 : i32
        %get3A_950 = arith.index_cast %sub3A_949 : i32 to index
        %get3A_951 = tpu.vector_load %arg4[%get3A_950] {strides = array<i32>} : memref<32736xf32, #tpu.memory_space<vmem>>, vector<16xf32>,
        %eq3A_952 = arith.constant 56 : i32
        %eq3A_953 = arith.cmpi eq, %div3A_38, %eq3A_952 : i32
        %broadcast_in_dim3A_954 = vector.broadcast %eq3A_953 : i1 to vector<16xi1>
        %select_n3A_955 = arith.select %broadcast_in_dim3A_954, %select_n3A, %get3A_951 : vector<16xi1>, vector<16xf32>
        %add3A_956 = arith.constant 896 : i32
        %add3A_957 = arith.addi %mul3A_42, %add3A_956 : i32
        %swap3A_958 = arith.index_cast %add3A_957 : i32 to index
        %swap3A_959 = tpu.vector_load %arg5[%swap3A_958] {strides = array<i32>} : memref<32768xf32, #tpu.memory_space<vmem>>, vector<16xf32>,
        tpu.vector_store %arg5[%swap3A_958], %select_n3A_955 {strides = array<i32>} : memref<32768xf32, #tpu.memory_space<vmem>>, vector<16xf32>,
        %add3A_960 = arith.constant 912 : i32
        %add3A_961 = arith.addi %mul3A_40, %add3A_960 : i32
        %lt3A_962 = arith.constant 57 : i32
        %lt3A_963 = arith.cmpi slt, %div3A_38, %lt3A_962 : i32
        %convert_element_type3A_964 = arith.extui %lt3A_963 : i1 to i32
        %sub3A_965 = arith.subi %add3A_961, %convert_element_type3A_964 : i32
        %get3A_966 = arith.index_cast %sub3A_965 : i32 to index
        %get3A_967 = tpu.vector_load %arg4[%get3A_966] {strides = array<i32>} : memref<32736xf32, #tpu.memory_space<vmem>>, vector<16xf32>,
        %eq3A_968 = arith.constant 57 : i32
        %eq3A_969 = arith.cmpi eq, %div3A_38, %eq3A_968 : i32
        %broadcast_in_dim3A_970 = vector.broadcast %eq3A_969 : i1 to vector<16xi1>
        %select_n3A_971 = arith.select %broadcast_in_dim3A_970, %select_n3A, %get3A_967 : vector<16xi1>, vector<16xf32>
        %add3A_972 = arith.constant 912 : i32
        %add3A_973 = arith.addi %mul3A_42, %add3A_972 : i32
        %swap3A_974 = arith.index_cast %add3A_973 : i32 to index
        %swap3A_975 = tpu.vector_load %arg5[%swap3A_974] {strides = array<i32>} : memref<32768xf32, #tpu.memory_space<vmem>>, vector<16xf32>,
        tpu.vector_store %arg5[%swap3A_974], %select_n3A_971 {strides = array<i32>} : memref<32768xf32, #tpu.memory_space<vmem>>, vector<16xf32>,
        %add3A_976 = arith.constant 928 : i32
        %add3A_977 = arith.addi %mul3A_40, %add3A_976 : i32
        %lt3A_978 = arith.constant 58 : i32
        %lt3A_979 = arith.cmpi slt, %div3A_38, %lt3A_978 : i32
        %convert_element_type3A_980 = arith.extui %lt3A_979 : i1 to i32
        %sub3A_981 = arith.subi %add3A_977, %convert_element_type3A_980 : i32
        %get3A_982 = arith.index_cast %sub3A_981 : i32 to index
        %get3A_983 = tpu.vector_load %arg4[%get3A_982] {strides = array<i32>} : memref<32736xf32, #tpu.memory_space<vmem>>, vector<16xf32>,
        %eq3A_984 = arith.constant 58 : i32
        %eq3A_985 = arith.cmpi eq, %div3A_38, %eq3A_984 : i32
        %broadcast_in_dim3A_986 = vector.broadcast %eq3A_985 : i1 to vector<16xi1>
        %select_n3A_987 = arith.select %broadcast_in_dim3A_986, %select_n3A, %get3A_983 : vector<16xi1>, vector<16xf32>
        %add3A_988 = arith.constant 928 : i32
        %add3A_989 = arith.addi %mul3A_42, %add3A_988 : i32
        %swap3A_990 = arith.index_cast %add3A_989 : i32 to index
        %swap3A_991 = tpu.vector_load %arg5[%swap3A_990] {strides = array<i32>} : memref<32768xf32, #tpu.memory_space<vmem>>, vector<16xf32>,
        tpu.vector_store %arg5[%swap3A_990], %select_n3A_987 {strides = array<i32>} : memref<32768xf32, #tpu.memory_space<vmem>>, vector<16xf32>,
        %add3A_992 = arith.constant 944 : i32
        %add3A_993 = arith.addi %mul3A_40, %add3A_992 : i32
        %lt3A_994 = arith.constant 59 : i32
        %lt3A_995 = arith.cmpi slt, %div3A_38, %lt3A_994 : i32
        %convert_element_type3A_996 = arith.extui %lt3A_995 : i1 to i32
        %sub3A_997 = arith.subi %add3A_993, %convert_element_type3A_996 : i32
        %get3A_998 = arith.index_cast %sub3A_997 : i32 to index
        %get3A_999 = tpu.vector_load %arg4[%get3A_998] {strides = array<i32>} : memref<32736xf32, #tpu.memory_space<vmem>>, vector<16xf32>,
        %eq3A_1000 = arith.constant 59 : i32
        %eq3A_1001 = arith.cmpi eq, %div3A_38, %eq3A_1000 : i32
        %broadcast_in_dim3A_1002 = vector.broadcast %eq3A_1001 : i1 to vector<16xi1>
        %select_n3A_1003 = arith.select %broadcast_in_dim3A_1002, %select_n3A, %get3A_999 : vector<16xi1>, vector<16xf32>
        %add3A_1004 = arith.constant 944 : i32
        %add3A_1005 = arith.addi %mul3A_42, %add3A_1004 : i32
        %swap3A_1006 = arith.index_cast %add3A_1005 : i32 to index
        %swap3A_1007 = tpu.vector_load %arg5[%swap3A_1006] {strides = array<i32>} : memref<32768xf32, #tpu.memory_space<vmem>>, vector<16xf32>,
        tpu.vector_store %arg5[%swap3A_1006], %select_n3A_1003 {strides = array<i32>} : memref<32768xf32, #tpu.memory_space<vmem>>, vector<16xf32>,
        %add3A_1008 = arith.constant 960 : i32
        %add3A_1009 = arith.addi %mul3A_40, %add3A_1008 : i32
        %lt3A_1010 = arith.constant 60 : i32
        %lt3A_1011 = arith.cmpi slt, %div3A_38, %lt3A_1010 : i32
        %convert_element_type3A_1012 = arith.extui %lt3A_1011 : i1 to i32
        %sub3A_1013 = arith.subi %add3A_1009, %convert_element_type3A_1012 : i32
        %get3A_1014 = arith.index_cast %sub3A_1013 : i32 to index
        %get3A_1015 = tpu.vector_load %arg4[%get3A_1014] {strides = array<i32>} : memref<32736xf32, #tpu.memory_space<vmem>>, vector<16xf32>,
        %eq3A_1016 = arith.constant 60 : i32
        %eq3A_1017 = arith.cmpi eq, %div3A_38, %eq3A_1016 : i32
        %broadcast_in_dim3A_1018 = vector.broadcast %eq3A_1017 : i1 to vector<16xi1>
        %select_n3A_1019 = arith.select %broadcast_in_dim3A_1018, %select_n3A, %get3A_1015 : vector<16xi1>, vector<16xf32>
        %add3A_1020 = arith.constant 960 : i32
        %add3A_1021 = arith.addi %mul3A_42, %add3A_1020 : i32
        %swap3A_1022 = arith.index_cast %add3A_1021 : i32 to index
        %swap3A_1023 = tpu.vector_load %arg5[%swap3A_1022] {strides = array<i32>} : memref<32768xf32, #tpu.memory_space<vmem>>, vector<16xf32>,
        tpu.vector_store %arg5[%swap3A_1022], %select_n3A_1019 {strides = array<i32>} : memref<32768xf32, #tpu.memory_space<vmem>>, vector<16xf32>,
        %add3A_1024 = arith.constant 976 : i32
        %add3A_1025 = arith.addi %mul3A_40, %add3A_1024 : i32
        %lt3A_1026 = arith.constant 61 : i32
        %lt3A_1027 = arith.cmpi slt, %div3A_38, %lt3A_1026 : i32
        %convert_element_type3A_1028 = arith.extui %lt3A_1027 : i1 to i32
        %sub3A_1029 = arith.subi %add3A_1025, %convert_element_type3A_1028 : i32
        %get3A_1030 = arith.index_cast %sub3A_1029 : i32 to index
        %get3A_1031 = tpu.vector_load %arg4[%get3A_1030] {strides = array<i32>} : memref<32736xf32, #tpu.memory_space<vmem>>, vector<16xf32>,
        %eq3A_1032 = arith.constant 61 : i32
        %eq3A_1033 = arith.cmpi eq, %div3A_38, %eq3A_1032 : i32
        %broadcast_in_dim3A_1034 = vector.broadcast %eq3A_1033 : i1 to vector<16xi1>
        %select_n3A_1035 = arith.select %broadcast_in_dim3A_1034, %select_n3A, %get3A_1031 : vector<16xi1>, vector<16xf32>
        %add3A_1036 = arith.constant 976 : i32
        %add3A_1037 = arith.addi %mul3A_42, %add3A_1036 : i32
        %swap3A_1038 = arith.index_cast %add3A_1037 : i32 to index
        %swap3A_1039 = tpu.vector_load %arg5[%swap3A_1038] {strides = array<i32>} : memref<32768xf32, #tpu.memory_space<vmem>>, vector<16xf32>,
        tpu.vector_store %arg5[%swap3A_1038], %select_n3A_1035 {strides = array<i32>} : memref<32768xf32, #tpu.memory_space<vmem>>, vector<16xf32>,
        %add3A_1040 = arith.constant 992 : i32
        %add3A_1041 = arith.addi %mul3A_40, %add3A_1040 : i32
        %lt3A_1042 = arith.constant 62 : i32
        %lt3A_1043 = arith.cmpi slt, %div3A_38, %lt3A_1042 : i32
        %convert_element_type3A_1044 = arith.extui %lt3A_1043 : i1 to i32
        %sub3A_1045 = arith.subi %add3A_1041, %convert_element_type3A_1044 : i32
        %get3A_1046 = arith.index_cast %sub3A_1045 : i32 to index
        %get3A_1047 = tpu.vector_load %arg4[%get3A_1046] {strides = array<i32>} : memref<32736xf32, #tpu.memory_space<vmem>>, vector<16xf32>,
        %eq3A_1048 = arith.constant 62 : i32
        %eq3A_1049 = arith.cmpi eq, %div3A_38, %eq3A_1048 : i32
        %broadcast_in_dim3A_1050 = vector.broadcast %eq3A_1049 : i1 to vector<16xi1>
        %select_n3A_1051 = arith.select %broadcast_in_dim3A_1050, %select_n3A, %get3A_1047 : vector<16xi1>, vector<16xf32>
        %add3A_1052 = arith.constant 992 : i32
        %add3A_1053 = arith.addi %mul3A_42, %add3A_1052 : i32
        %swap3A_1054 = arith.index_cast %add3A_1053 : i32 to index
        %swap3A_1055 = tpu.vector_load %arg5[%swap3A_1054] {strides = array<i32>} : memref<32768xf32, #tpu.memory_space<vmem>>, vector<16xf32>,
        tpu.vector_store %arg5[%swap3A_1054], %select_n3A_1051 {strides = array<i32>} : memref<32768xf32, #tpu.memory_space<vmem>>, vector<16xf32>,
        %add3A_1056 = arith.constant 1008 : i32
        %add3A_1057 = arith.addi %mul3A_40, %add3A_1056 : i32
        %lt3A_1058 = arith.constant 63 : i32
        %lt3A_1059 = arith.cmpi slt, %div3A_38, %lt3A_1058 : i32
        %convert_element_type3A_1060 = arith.extui %lt3A_1059 : i1 to i32
        %sub3A_1061 = arith.subi %add3A_1057, %convert_element_type3A_1060 : i32
        %get3A_1062 = arith.index_cast %sub3A_1061 : i32 to index
        %get3A_1063 = tpu.vector_load %arg4[%get3A_1062] {strides = array<i32>} : memref<32736xf32, #tpu.memory_space<vmem>>, vector<16xf32>,
        %eq3A_1064 = arith.constant 63 : i32
        %eq3A_1065 = arith.cmpi eq, %div3A_38, %eq3A_1064 : i32
        %broadcast_in_dim3A_1066 = vector.broadcast %eq3A_1065 : i1 to vector<16xi1>
        %select_n3A_1067 = arith.select %broadcast_in_dim3A_1066, %select_n3A, %get3A_1063 : vector<16xi1>, vector<16xf32>
        %add3A_1068 = arith.constant 1008 : i32
        %add3A_1069 = arith.addi %mul3A_42, %add3A_1068 : i32
        %swap3A_1070 = arith.index_cast %add3A_1069 : i32 to index
        %swap3A_1071 = tpu.vector_load %arg5[%swap3A_1070] {strides = array<i32>} : memref<32768xf32, #tpu.memory_space<vmem>>, vector<16xf32>,
        tpu.vector_store %arg5[%swap3A_1070], %select_n3A_1067 {strides = array<i32>} : memref<32768xf32, #tpu.memory_space<vmem>>, vector<16xf32>,
        %scan3A_1072 = arith.constant 0 : i32
        scf.yield %scan3A_1072 : i32
      }
      %scan3A_24 = arith.constant 32 : i32
      %mul3A_25 = arith.constant 1048576 : i32
      %mul3A_26 = arith.muli %scan3A_9, %mul3A_25 : i32
      %mul3A_27 = arith.constant 1024 : i32
      %mul3A_28 = arith.muli %mul3A_2, %mul3A_27 : i32
      %add3A_29 = arith.addi %mul3A_26, %mul3A_28 : i32
      %dma_start3A_30 = tpu.memref_slice %arg3[%add3A_29] : memref<33554432xf32, #tpu.memory_space<hbm>> -> memref<32768xf32, #tpu.memory_space<hbm>>
      %dma_start3A_31 = tpu.memref_slice %arg3[%add3A_29] : memref<33554432xf32, #tpu.memory_space<hbm>> -> memref<32768xf32, #tpu.memory_space<hbm>>
      tpu.enqueue_dma source(%arg5 : memref<32768xf32, #tpu.memory_space<vmem>>) target(%dma_start3A_31 : memref<32768xf32, #tpu.memory_space<hbm>>) target_semaphore(%arg7 : memref<!tpu.dma_semaphore, #tpu.memory_space<semaphore_mem>>)
      %dma_wait3A_32 = tpu.memref_slice %arg3[%add3A_29] : memref<33554432xf32, #tpu.memory_space<hbm>> -> memref<32768xf32, #tpu.memory_space<hbm>>
      %dma_wait3A_33 = tpu.memref_slice %arg3[%add3A_29] : memref<33554432xf32, #tpu.memory_space<hbm>> -> memref<32768xf32, #tpu.memory_space<hbm>>
      tpu.wait_dma2 semaphore(%arg7 : memref<!tpu.dma_semaphore, #tpu.memory_space<semaphore_mem>>) src(%arg5 : memref<32768xf32, #tpu.memory_space<vmem>>) dst(%dma_wait3A_33 : memref<32768xf32, #tpu.memory_space<hbm>>)
      %scan3A_34 = arith.constant 0 : i32
      scf.yield %scan3A_34 : i32
    }
    %scan3A_8 = arith.constant 32 : i32
    return
  }
}

</mosaic_0001>

<sc_bundles>
// kernel: kernel.3.cloned.1.call-start
scs
__scs_entry_jumppad:
0x0: {  	(pc) =	sbr.rel $0x88, $3  }
0x1: {  	(tag) =	ssettag $0x0;
	lr =	simm.s32 $0x1  }
0x2: {  	[smem:$0x3FA0] =	sst lr;
	_ =	strace $0xD0000000  }
0x3: {  	_ = 	snop  }
0x4: {  	_ = 	snop  }
0x5: {  	_ = 	snop  }
0x6: {  	_ = 	snop  }
0x7: {  	_ = 	snop  }
__scs_overlays_trampoline_lowered:
0x8: {  	[smem:$0x3FAF] =	sst s0  }
0x9: {  	[smem:$0x3FB0] =	sst s1  }
0xa: {  	[smem:$0x3FB1] =	sst s2  }
0xb: {  	[smem:$0x3FB2] =	sst s3  }
0xc: {  	[smem:$0x3FB3] =	sst s4  }
0xd: {  	[smem:$0x3FB4] =	sst s5  }
0xe: {  	[smem:$0x3FB5] =	sst s6  }
0xf: {  	[smem:$0x3FB6] =	sst s7  }
0x10: {  	[smem:$0x3FB7] =	sst s8  }
0x11: {  	[smem:$0x3FB8] =	sst s9;
	s0 =	simm.s32 @!p0 $0x0  }
0x12: {  	s1 =	sld [smem:$0x3F9E];
	s0 =	simm.s32 @p0 $0x1  }
0x13: {  	[smem:$0x3FB9] =	sst s0;
	s0 =	simm.s32 @!p1 $0x0  }
0x14: {  	s2 =	sld [smem:$0x3F9D];
	s0 =	simm.s32 @p1 $0x1  }
0x15: {  	[smem:$0x3FBA] =	sst s0;
	s0 =	simm.s32 @!p2 $0x0  }
0x16: {  	s3 =	sld [smem:$0x3FDB];
	s0 =	simm.s32 @p2 $0x1  }
0x17: {  	s4 =	simm.s32 $0x1BF5;
	[smem:$0x3FBC] =	sst s0  }
0x18: {  	s0 =	sld [smem:$0x3F9F];
	_ =	swait.ge [sflag:s4], $0x0  }
0x19: {  	s7 =	sld [smem:$0x3FA0]  }
0x1a: {  	s8 =	sadd.s32 $0xFFFFE003, lr  }
0x1b: {  	s9 =	sadd.s32 $0xFFFFFEF7, lr;
	s5 =	simm.s32 $0xFFFFFFFF;
	p2 =	slt.u32 s8, $0xFFFFF086  }
0x1c: {  	p1 =	slt.u32 s9, $0xF7A;
	s5 =	simm.s32 @!p2 $0x0  }
0x1d: {  	s5 =	simm.s32 @p1 $0x1;
	p0 =	seq.s32 s7, s2  }
0x1e: {  	s7 =	smul.u32 @!p0 $0xF7A, s2;
	p2 =	seq.s32 @!p0 s5, $0x0  }
0x1f: {  	s9 =	smul.u32 $0xF7A, s1;
	s8 =	simm.s32 @!p0 $0x1BF5;
	p2 =	por !p2, p0  }
0x20: {  	[sflag:s8] =	ssyncset.s32 @!p0 $0xFFFFF086;
	s6 =	sadd.s32 @!p0 s3, s7;
	s7 =	simm.s32 @!p0 $0x108  }
0x21: {  	s3 =	sadd.s32 s3, s9;
	s6 =	sadd.s32 @!p0 $0x88, s6;
	s7 =	simm.s32 @p2 $0x1082  }
0x22: {  	[simem:s7], [sflag:s8] =	dma.local @!p0 [hbm:s6], $0xF7A  }
0x23: {  	s9 =	sor.u32 $0xD0000000, s2;
	s6 =	simm.s32 $0x108;
	_ =	swait.ge @!p0 [sflag:s8], $0x0  }
0x24: {  	s3 =	sadd.s32 $0x88, s3;
	s6 =	simm.s32 @!p1 $0x1082;
	[sflag:s4] =	ssyncset.s32 $0xFFFFF086  }
0x25: {  	[simem:s6], [sflag:s4] =	dma.local [hbm:s3], $0xF7A  }
0x26: {  	[smem:$0x3FA0] =	sst s1;
	(tag) =	ssettag s2;
	_ =	strace s9  }
0x27: {  	s1 =	sld [smem:$0x3FB0]  }
0x28: {  	s2 =	sld [smem:$0x3FB1]  }
0x29: {  	s4 =	sld [smem:$0x3FB3]  }
0x2a: {  	p0 =	seq.s32 s5, $0x0;
	s5 =	sld [smem:$0x3FB4]  }
0x2b: {  	s6 =	sld [smem:$0x3FB5]  }
0x2c: {  	s7 =	sld [smem:$0x3FB6]  }
0x2d: {  	s3 =	simm.s32 $0x108;
	s8 =	sld [smem:$0x3FB7]  }
0x2e: {  	s3 =	simm.s32 @!p0 $0x1082;
	s9 =	sld [smem:$0x3FB8]  }
0x2f: {  	lr =	sadd.s32 s0, s3;
	s0 =	sld [smem:$0x3FAF]  }
0x30: {  	s3 =	sld [smem:$0x3FB2]  }
0x31: {  	[smem:$0x3FBB] =	sst s10  }
0x32: {  	s10 =	sld [smem:$0x3FB9];
	_ =	sdelay $0x3  }
0x33: {  	p0 =	seq.s32 s10, $0x1;
	s10 =	sld [smem:$0x3FBB];
	_ =	sdelay $0x3  }
0x34: {  	[smem:$0x3FBB] =	sst s10  }
0x35: {  	s10 =	sld [smem:$0x3FBA];
	_ =	sdelay $0x3  }
0x36: {  	p1 =	seq.s32 s10, $0x1;
	s10 =	sld [smem:$0x3FBB];
	_ =	sdelay $0x3  }
0x37: {  	[smem:$0x3FBB] =	sst s10  }
0x38: {  	s10 =	sld [smem:$0x3FBC]  }
0x39: {  	_ = 	snop;
	(pc) =	sbr.ind lr, $3  }
0x3a: {  	_ = 	snop  }
0x3b: {  	_ = 	snop  }
0x3c: {  	p2 =	seq.s32 s10, $0x1;
	s10 =	sld [smem:$0x3FBB]  }
0x3d: {  	_ =	shalt  }
0x3e: {  	_ =	shalt  }
0x3f: {  	_ =	shalt  }
0x40: {  	_ =	shalt  }
0x41: {  	_ =	shalt  }
0x42: {  	_ =	shalt  }
0x43: {  	_ =	shalt  }
0x44: {  	_ =	shalt  }
0x45: {  	_ =	shalt  }
0x46: {  	_ =	shalt  }
0x47: {  	_ =	shalt  }
0x48: {  	_ =	shalt  }
0x49: {  	_ =	shalt  }
0x4a: {  	_ =	shalt  }
0x4b: {  	_ =	shalt  }
0x4c: {  	_ =	shalt  }
0x4d: {  	_ =	shalt  }
0x4e: {  	_ =	shalt  }
0x4f: {  	_ =	shalt  }
0x50: {  	_ =	shalt  }
0x51: {  	_ =	shalt  }
0x52: {  	_ =	shalt  }
0x53: {  	_ =	shalt  }
0x54: {  	_ =	shalt  }
0x55: {  	_ =	shalt  }
0x56: {  	_ =	shalt  }
0x57: {  	_ =	shalt  }
0x58: {  	_ =	shalt  }
0x59: {  	_ =	shalt  }
0x5a: {  	_ =	shalt  }
0x5b: {  	_ =	shalt  }
0x5c: {  	_ =	shalt  }
0x5d: {  	_ =	shalt  }
0x5e: {  	_ =	shalt  }
0x5f: {  	_ =	shalt  }
0x60: {  	_ =	shalt  }
0x61: {  	_ =	shalt  }
0x62: {  	_ =	shalt  }
0x63: {  	_ =	shalt  }
0x64: {  	_ =	shalt  }
0x65: {  	_ =	shalt  }
0x66: {  	_ =	shalt  }
0x67: {  	_ =	shalt  }
0x68: {  	_ =	shalt  }
0x69: {  	_ =	shalt  }
0x6a: {  	_ =	shalt  }
0x6b: {  	_ =	shalt  }
0x6c: {  	_ =	shalt  }
0x6d: {  	_ =	shalt  }
0x6e: {  	_ =	shalt  }
0x6f: {  	_ =	shalt  }
0x70: {  	_ =	shalt  }
0x71: {  	_ =	shalt  }
0x72: {  	_ =	shalt  }
0x73: {  	_ =	shalt  }
0x74: {  	_ =	shalt  }
0x75: {  	_ =	shalt  }
0x76: {  	_ =	shalt  }
0x77: {  	_ =	shalt  }
0x78: {  	_ =	shalt  }
0x79: {  	_ =	shalt  }
0x7a: {  	_ =	shalt  }
0x7b: {  	_ =	shalt  }
0x7c: {  	_ =	shalt  }
0x7d: {  	_ =	shalt  }
0x7e: {  	_ =	shalt  }
0x7f: {  	_ =	shalt  }
0x80: {  	_ =	shalt  }
0x81: {  	_ =	shalt  }
0x82: {  	_ =	shalt  }
0x83: {  	_ =	shalt  }
0x84: {  	_ =	shalt  }
0x85: {  	_ =	shalt  }
0x86: {  	_ =	shalt  }
0x87: {  	_ =	shalt  }
.Lfunc_end0:
.L_simem_size_0:
called_computation.1_lowered:
.L_overlay_start_0:
0x88: {  	s2 =	sld [smem:$0x3FD9]  }
0x89: {  	s3 =	sld [smem:$0x3FFE];
	_ =	sdelay $0x1  }
0x8a: {  	s1 =	srdreg.scid  }
0x8b: {  	s0 =	sand.u32 $0x1, s1  }
0x8c: {  	s17 =	sshll.u32 s0, $0xA;
	s2 =	sadd.s32 s3, s2  }
0x8d: {  	s2 =	sadd.s32 s2, s17  }
0x8e: {  	[smem:$0x3FC7] =	sst s2  }
0x8f: {  	_ = 	snop  }
0x90: {  	s2 =	sld [smem:$0x3FD0];
	(tm) =	ssettm $0x1  }
0x91: {  	s18 =	sld [smem:$0x3FFB];
	_ =	sdelay $0x3  }
0x92: {  	_ =	strace s18  }
0x93: {  	s3 =	sld [smem:$0x3FFC];
	_ =	sdelay $0x3  }
0x94: {  	_ =	strace s3  }
0x95: {  	s3 =	sld [smem:$0x3FFD];
	_ =	sdelay $0x3  }
0x96: {  	_ =	strace s3  }
0x97: {  	_ =	strace $0x8FFFFFFF  }
0x98: {  	s19 =	sld [smem:$0x3FDB];
	_ =	sdelay $0x1  }
0x99: {  	s4 =	simm.s32 $_scs_section_size  }
0x9a: {  	s5 =	simm.s32 $_size__tile_overlayer_lowered;
	s6 =	simm.s32 $_tile_overlayer_lowered  }
0x9b: {  	s22 =	simm.s32 $0x1BFF;
	s21 =	sshll.u32 s6, $0x1;
	s3 =	sadd.s32 s4, s19  }
0x9c: {  	s7 =	simm.s32 $0x0;
	s20 =	sshll.u32 s5, $0x1;
	s5 =	sadd.s32 s21, s3  }
0x9d: {  	[timem:s7], [sflag:s22] =	dma.local [hbm:s5], s20  }
0x9e: {  	_ =	swait.ge [sflag:s22], s20  }
0x9f: {  	s4 =	ssub.s32 $0x0, s20;
	[sflag:s22] =	ssyncset.done $0x0  }
0xa0: {  	[sflag:s22] =	ssyncadd.s32 s4;
	_ =	sdelay $0x1  }
0xa1: {  	s23 =	simm.s32 $0x1B8B  }
0xa2: {  	_ =	swait.ge [sflag:s23], $0x1  }
0xa3: {  	[sflag:s23] =	ssyncset.done $0x0  }
0xa4: {  	s25 =	simm.s32 $0x1B8E;
	s24 =	sld [smem:$0x3FFE];
	[sflag:s23] =	ssyncadd.s32 $0xFFFFFFFF  }
0xa5: {  	s26 =	simm.s32 $execute0_lowered;
	[smem:$0x3FD2] =	sst s25  }
0xa6: {  	s5 =	sshll.u32 s26, $0x1;
	_ =	strace $0x80000049;
	[dreg:$0x1] =	wrdreg $0xFFFFFFFF  }
0xa7: {  	s28 =	simm.s32 $_size_execute0_lowered;
	s3 =	sadd.s32 s3, s5;
	[dreg:$0x0] =	wrdreg $0x0  }
0xa8: {  	s5 =	sshll.u32 s28, $0x1;
	[dreg:$0x2] =	wrdreg s3  }
0xa9: {  	[dreg:$0x3] =	wrdreg s5  }
0xaa: {  	[dreg:$0x4] =	wrdreg $0xC0  }
0xab: {  	_ =	task [dreg:s7], $0x5FFFF  }
0xac: {  	[dreg:$0x1] =	wrdreg $0xFFFFFFFF  }
0xad: {  	[dreg:$0x0] =	wrdreg $0x60  }
0xae: {  	[dreg:$0x2] =	wrdreg s2  }
0xaf: {  	[dreg:$0x3] =	wrdreg s24  }
0xb0: {  	[dreg:$0x4] =	wrdreg $0x9  }
0xb1: {  	_ =	task.clear_ibuf [dreg:s7], $0x5FFFF;
	_ =	strace $0x90000049  }
0xb2: {  	s29 =	simm.s32 $0x9;
	_ =	strace $0x8000004B  }
0xb3: {  	_ =	swait.ge [sflag:s29], $0x1  }
0xb4: {  	[sflag:s29] =	ssyncadd.s32 $0xFFFFFFFF  }
0xb5: {  	_ =	strace $0x9000004B  }
0xb6: {  	_ =	sfence  }
0xb7: {  	s30 =	sld [smem:$0x0];
	_ =	sdelay $0x2  }
0xb8: {  	s31 =	sshll.u32 s1, $0xD;
	s1 =	sshrl.u32 s1, $0x2  }
0xb9: {  	s3 =	sand.u32 $0x4000, s31;
	s1 =	sadd.s32 s1, s30  }
0xba: {  	s0 =	sor.u32 s3, s0;
	s1 =	sshll.u32 s1, $0x11  }
0xbb: {  	s0 =	sor.u32 s1, s0  }
0xbc: {  	s0 =	sadd.s32 $0x8F2B, s0  }
0xbd: {  	[sflag:s0] =	ssyncadd.remote.s32 $0x1  }
0xbe: {  	_ =	sfence.sel $0xFFFF  }
0xbf: {  	[dreg:$0x0] =	wrdreg $0xFFFFFFFF;
	(pc) =	sbr.abs _section_cstart, $3  }
0xc0: {  	[dreg:$0x1] =	wrdreg $0xFFFFFFFF  }
0xc1: {  	_ =	task.clear_ibuf [dreg:s7], $0x2FFFF;
	_ =	strace $0x9FFFFFFF  }
0xc2: {  	(tm) =	ssettm $0x7FFFFFFF  }
0xc3: {  	_ =	shalt  }
tec
execute0_lowered:
.L_overlay_start_1:
0x0: {  	(tag) =	ssettag $0x1  }
0x1: {  	s2 =	rddreg [dreg:$0x0]  }
0x2: {  	s4 =	rddreg [dreg:$0x1]  }
0x3: {  	s0 =	rddreg [dreg:$0x2]  }
0x4: {  	s5 =	srdreg.scid;
	s1 =	stileid.u32  }
0x5: {  	s3 =	simm.s32 $0x0;
	s10 =	simm.s32 $0x2;
	s11 =	simm.s32 $0x0  }
0x6: {  	s6 =	sand.u32 $0x1, s5;
	s29 =	sshll.u32 s1, $0x1;
	[smem:$0x7FF] =	sst s3  }
0x7: {  	s30 =	sshll.u32 s1, $0x6;
	s5 =	sor.u32 s6, s29;
	s7 =	ssub.s32 $0x2, s6  }
0x8: {  	_ =	strace $0x8000004A;
	s8 =	sshll.u32 s5, $0xC;
	s9 =	sshrl.u32 s7, $0x1  }
0x9: {  	s31 =	sshll.u32 s6, $0x5;
	s8 =	sadd.s32 s8, s4;
	s7 =	ssub.s32 s7, s9  }
0xa: {  	s4 =	smul.u32 $0x7FE0, s5;
	s9 =	simm.s32 $0x8000;
	s5 =	sadd.s32 $0x800, s8  }
0xb: {  	v0 =	vlaneseq.u32;
	v1 =	vimm.s32 $0x0;
	s6 =	smax.u32 s7, $0x1;
	s7 =	sor.u32 s31, s30;
	s8 =	simm.s32 $0x1  }
.LBB2_1:
0xc: {  	s12 =	simm.s32 $0x0  }
.LBB2_2:
0xd: {  	s13 =	smul.u32 $0xFFC00, s12;
	s14 =	sand.u32 $0x3F0, s7  }
0xe: {  	v2 =	vor.u32 s14, v0  }
0xf: {  	s15 =	sadd.s32 s4, s13;
	s13 =	simm.s32 $0x0;
	vm0 =	vgt.u32 v2, s7  }
0x10: {  	s15 =	sshrl.u32 s15, $0x3;
	v3 =	vadd.s32 s13, v2;
	v4 =	vsel vm0, $0xFFFFFFFF, v1  }
0x11: {  	s15 =	sadd.s32 s2, s15;
	v3 =	vadd.s32 v4, v3  }
0x12: {  	[tilespmem:s13], [sflag:$0x1] =	stream.linear.gather [hbm4b:s15+s13], $0x7FE0, $0x38;
	[tilespmem:$0x10000] =	vst v63  }
0x13: {  	_ =	swait.ge [sflag:s8], $0x7FE0  }
0x14: {  	[sflag:s8] =	ssyncset.done $0x0  }
0x15: {  	[sflag:s8] =	ssyncadd.s32 $0xFFFF8020  }
0x16: {  	s31 =	simm.s32 $0x0;
	v3 =	vld.idx.msk [tilespmem:v3+s3+$0x0], $0xffff  }
0x17: {  	v4 =	vld [tilespmem:s31+$0x0];
	_ =	sdelay $0x2  }
0x18: {  	vm15 =	veq.s32 v2, s7  }
0x19: {  	p0 =	slt.u32 s7, $0x10;
	s16 =	simm.s32 $0x1;
	v2 =	vsel vm15, $0x0, v3  }
0x1a: {  	s16 =	simm.s32 @!p0 $0x0;
	s15 =	simm.s32 $0x8200;
	v3 =	vpsel p0, v2, v4  }
0x1b: {  	s16 =	ssub.s32 $0x0, s16;
	[tilespmem:s15+$0xFFFFFE00] =	vst v3  }
0x1c: {  	v3 =	vld [tilespmem:s16+$0x10];
	_ =	sdelay $0x3  }
0x1d: {  	p1 =	slt.u32 s7, $0x20;
	p5 =	seq.s32 s14, $0x10;
	s16 =	simm.s32 $0x1  }
0x1e: {  	s16 =	simm.s32 @!p1 $0x0;
	v3 =	vpsel p5, v2, v3  }
0x1f: {  	s16 =	ssub.s32 $0x0, s16;
	[tilespmem:s15+$0xFFFFFE10] =	vst v3  }
0x20: {  	v3 =	vld [tilespmem:s16+$0x20];
	_ =	sdelay $0x3  }
0x21: {  	p6 =	seq.s32 s14, $0x20;
	p1 =	slt.u32 s7, $0x30;
	s16 =	simm.s32 $0x1  }
0x22: {  	s16 =	simm.s32 @!p1 $0x0;
	v3 =	vpsel p6, v2, v3  }
0x23: {  	s16 =	ssub.s32 $0x0, s16;
	[tilespmem:s15+$0xFFFFFE20] =	vst v3  }
0x24: {  	v3 =	vld [tilespmem:s16+$0x30];
	_ =	sdelay $0x3  }
0x25: {  	p2 =	seq.s32 s14, $0x30;
	p1 =	slt.u32 s7, $0x40;
	s16 =	simm.s32 $0x1  }
0x26: {  	s16 =	simm.s32 @!p1 $0x0;
	v3 =	vpsel p2, v2, v3  }
0x27: {  	s16 =	ssub.s32 $0x0, s16;
	[tilespmem:s15+$0xFFFFFE30] =	vst v3  }
0x28: {  	v3 =	vld [tilespmem:s16+$0x40];
	_ =	sdelay $0x3  }
0x29: {  	p3 =	seq.s32 s14, $0x40;
	p1 =	slt.u32 s7, $0x50;
	s16 =	simm.s32 $0x1  }
0x2a: {  	s16 =	simm.s32 @!p1 $0x0;
	v3 =	vpsel p3, v2, v3  }
0x2b: {  	s16 =	ssub.s32 $0x0, s16;
	[tilespmem:s15+$0xFFFFFE40] =	vst v3  }
0x2c: {  	v3 =	vld [tilespmem:s16+$0x50];
	_ =	sdelay $0x3  }
0x2d: {  	p4 =	seq.s32 s14, $0x50;
	p1 =	slt.u32 s7, $0x60;
	s16 =	simm.s32 $0x1  }
0x2e: {  	s16 =	simm.s32 @!p1 $0x0;
	v3 =	vpsel p4, v2, v3  }
0x2f: {  	s16 =	ssub.s32 $0x0, s16;
	[tilespmem:s15+$0xFFFFFE50] =	vst v3  }
0x30: {  	v3 =	vld [tilespmem:s16+$0x60];
	_ =	sdelay $0x3  }
0x31: {  	p5 =	seq.s32 s14, $0x60;
	p1 =	slt.u32 s7, $0x70;
	s16 =	simm.s32 $0x1  }
0x32: {  	s16 =	simm.s32 @!p1 $0x0;
	v3 =	vpsel p5, v2, v3  }
0x33: {  	s16 =	ssub.s32 $0x0, s16;
	[tilespmem:s15+$0xFFFFFE60] =	vst v3  }
0x34: {  	v3 =	vld [tilespmem:s16+$0x70];
	_ =	sdelay $0x3  }
0x35: {  	p6 =	seq.s32 s14, $0x70;
	p1 =	slt.u32 s7, $0x80;
	s16 =	simm.s32 $0x1  }
0x36: {  	s16 =	simm.s32 @!p1 $0x0;
	v3 =	vpsel p6, v2, v3  }
0x37: {  	s16 =	ssub.s32 $0x0, s16;
	[tilespmem:s15+$0xFFFFFE70] =	vst v3  }
0x38: {  	v3 =	vld [tilespmem:s16+$0x80];
	_ =	sdelay $0x3  }
0x39: {  	p2 =	seq.s32 s14, $0x80;
	p1 =	slt.u32 s7, $0x90;
	s16 =	simm.s32 $0x1  }
0x3a: {  	s16 =	simm.s32 @!p1 $0x0;
	v3 =	vpsel p2, v2, v3  }
0x3b: {  	s16 =	ssub.s32 $0x0, s16;
	[tilespmem:s15+$0xFFFFFE80] =	vst v3  }
0x3c: {  	v3 =	vld [tilespmem:s16+$0x90];
	_ =	sdelay $0x3  }
0x3d: {  	p3 =	seq.s32 s14, $0x90;
	p1 =	slt.u32 s7, $0xA0;
	s16 =	simm.s32 $0x1  }
0x3e: {  	s16 =	simm.s32 @!p1 $0x0;
	v3 =	vpsel p3, v2, v3  }
0x3f: {  	s16 =	ssub.s32 $0x0, s16;
	[tilespmem:s15+$0xFFFFFE90] =	vst v3  }
0x40: {  	v3 =	vld [tilespmem:s16+$0xA0];
	_ =	sdelay $0x3  }
0x41: {  	p4 =	seq.s32 s14, $0xA0;
	p1 =	slt.u32 s7, $0xB0;
	s16 =	simm.s32 $0x1  }
0x42: {  	s16 =	simm.s32 @!p1 $0x0;
	v3 =	vpsel p4, v2, v3  }
0x43: {  	s16 =	ssub.s32 $0x0, s16;
	[tilespmem:s15+$0xFFFFFEA0] =	vst v3  }
0x44: {  	v3 =	vld [tilespmem:s16+$0xB0];
	_ =	sdelay $0x3  }
0x45: {  	p5 =	seq.s32 s14, $0xB0;
	p1 =	slt.u32 s7, $0xC0;
	s16 =	simm.s32 $0x1  }
0x46: {  	s16 =	simm.s32 @!p1 $0x0;
	v3 =	vpsel p5, v2, v3  }
0x47: {  	s16 =	ssub.s32 $0x0, s16;
	[tilespmem:s15+$0xFFFFFEB0] =	vst v3  }
0x48: {  	v3 =	vld [tilespmem:s16+$0xC0];
	_ =	sdelay $0x3  }
0x49: {  	p6 =	seq.s32 s14, $0xC0;
	p1 =	slt.u32 s7, $0xD0;
	s16 =	simm.s32 $0x1  }
0x4a: {  	s16 =	simm.s32 @!p1 $0x0;
	v3 =	vpsel p6, v2, v3  }
0x4b: {  	s16 =	ssub.s32 $0x0, s16;
	[tilespmem:s15+$0xFFFFFEC0] =	vst v3  }
0x4c: {  	v3 =	vld [tilespmem:s16+$0xD0];
	_ =	sdelay $0x3  }
0x4d: {  	p2 =	seq.s32 s14, $0xD0;
	p1 =	slt.u32 s7, $0xE0;
	s16 =	simm.s32 $0x1  }
0x4e: {  	s16 =	simm.s32 @!p1 $0x0;
	v3 =	vpsel p2, v2, v3  }
0x4f: {  	s16 =	ssub.s32 $0x0, s16;
	[tilespmem:s15+$0xFFFFFED0] =	vst v3  }
0x50: {  	v3 =	vld [tilespmem:s16+$0xE0];
	_ =	sdelay $0x3  }
0x51: {  	p3 =	seq.s32 s14, $0xE0;
	p1 =	slt.u32 s7, $0xF0;
	s16 =	simm.s32 $0x1  }
0x52: {  	s16 =	simm.s32 @!p1 $0x0;
	v3 =	vpsel p3, v2, v3  }
0x53: {  	s16 =	ssub.s32 $0x0, s16;
	[tilespmem:s15+$0xFFFFFEE0] =	vst v3  }
0x54: {  	v3 =	vld [tilespmem:s16+$0xF0];
	_ =	sdelay $0x3  }
0x55: {  	p4 =	seq.s32 s14, $0xF0;
	p1 =	slt.u32 s7, $0x100;
	s16 =	simm.s32 $0x1  }
0x56: {  	s16 =	simm.s32 @!p1 $0x0;
	v3 =	vpsel p4, v2, v3  }
0x57: {  	s16 =	ssub.s32 $0x0, s16;
	[tilespmem:s15+$0xFFFFFEF0] =	vst v3  }
0x58: {  	v3 =	vld [tilespmem:s16+$0x100];
	_ =	sdelay $0x3  }
0x59: {  	p5 =	seq.s32 s14, $0x100;
	p1 =	slt.u32 s7, $0x110;
	s16 =	simm.s32 $0x1  }
0x5a: {  	s16 =	simm.s32 @!p1 $0x0;
	v3 =	vpsel p5, v2, v3  }
0x5b: {  	s16 =	ssub.s32 $0x0, s16;
	[tilespmem:s15+$0xFFFFFF00] =	vst v3  }
0x5c: {  	v3 =	vld [tilespmem:s16+$0x110];
	_ =	sdelay $0x3  }
0x5d: {  	p6 =	seq.s32 s14, $0x110;
	p1 =	slt.u32 s7, $0x120;
	s16 =	simm.s32 $0x1  }
0x5e: {  	s16 =	simm.s32 @!p1 $0x0;
	v3 =	vpsel p6, v2, v3  }
0x5f: {  	s16 =	ssub.s32 $0x0, s16;
	[tilespmem:s15+$0xFFFFFF10] =	vst v3  }
0x60: {  	v3 =	vld [tilespmem:s16+$0x120];
	_ =	sdelay $0x3  }
0x61: {  	p2 =	seq.s32 s14, $0x120;
	p1 =	slt.u32 s7, $0x130;
	s16 =	simm.s32 $0x1  }
0x62: {  	s16 =	simm.s32 @!p1 $0x0;
	v3 =	vpsel p2, v2, v3  }
0x63: {  	s16 =	ssub.s32 $0x0, s16;
	[tilespmem:s15+$0xFFFFFF20] =	vst v3  }
0x64: {  	v3 =	vld [tilespmem:s16+$0x130];
	_ =	sdelay $0x3  }
0x65: {  	p3 =	seq.s32 s14, $0x130;
	p1 =	slt.u32 s7, $0x140;
	s16 =	simm.s32 $0x1  }
0x66: {  	s16 =	simm.s32 @!p1 $0x0;
	v3 =	vpsel p3, v2, v3  }
0x67: {  	s16 =	ssub.s32 $0x0, s16;
	[tilespmem:s15+$0xFFFFFF30] =	vst v3  }
0x68: {  	v3 =	vld [tilespmem:s16+$0x140];
	_ =	sdelay $0x3  }
0x69: {  	p4 =	seq.s32 s14, $0x140;
	p1 =	slt.u32 s7, $0x150;
	s16 =	simm.s32 $0x1  }
0x6a: {  	s16 =	simm.s32 @!p1 $0x0;
	v3 =	vpsel p4, v2, v3  }
0x6b: {  	s16 =	ssub.s32 $0x0, s16;
	[tilespmem:s15+$0xFFFFFF40] =	vst v3  }
0x6c: {  	v3 =	vld [tilespmem:s16+$0x150];
	_ =	sdelay $0x3  }
0x6d: {  	p5 =	seq.s32 s14, $0x150;
	p1 =	slt.u32 s7, $0x160;
	s16 =	simm.s32 $0x1  }
0x6e: {  	s16 =	simm.s32 @!p1 $0x0;
	v3 =	vpsel p5, v2, v3  }
0x6f: {  	s16 =	ssub.s32 $0x0, s16;
	[tilespmem:s15+$0xFFFFFF50] =	vst v3  }
0x70: {  	v3 =	vld [tilespmem:s16+$0x160];
	_ =	sdelay $0x3  }
0x71: {  	p6 =	seq.s32 s14, $0x160;
	p1 =	slt.u32 s7, $0x170;
	s16 =	simm.s32 $0x1  }
0x72: {  	s16 =	simm.s32 @!p1 $0x0;
	v3 =	vpsel p6, v2, v3  }
0x73: {  	s16 =	ssub.s32 $0x0, s16;
	[tilespmem:s15+$0xFFFFFF60] =	vst v3  }
0x74: {  	v3 =	vld [tilespmem:s16+$0x170];
	_ =	sdelay $0x3  }
0x75: {  	p2 =	seq.s32 s14, $0x170;
	p1 =	slt.u32 s7, $0x180;
	s16 =	simm.s32 $0x1  }
0x76: {  	s16 =	simm.s32 @!p1 $0x0;
	v3 =	vpsel p2, v2, v3  }
0x77: {  	s16 =	ssub.s32 $0x0, s16;
	[tilespmem:s15+$0xFFFFFF70] =	vst v3  }
0x78: {  	v3 =	vld [tilespmem:s16+$0x180];
	_ =	sdelay $0x3  }
0x79: {  	p3 =	seq.s32 s14, $0x180;
	p1 =	slt.u32 s7, $0x190;
	s16 =	simm.s32 $0x1  }
0x7a: {  	s16 =	simm.s32 @!p1 $0x0;
	v3 =	vpsel p3, v2, v3  }
0x7b: {  	s16 =	ssub.s32 $0x0, s16;
	[tilespmem:s15+$0xFFFFFF80] =	vst v3  }
0x7c: {  	v3 =	vld [tilespmem:s16+$0x190];
	_ =	sdelay $0x3  }
0x7d: {  	p4 =	seq.s32 s14, $0x190;
	p1 =	slt.u32 s7, $0x1A0;
	s16 =	simm.s32 $0x1  }
0x7e: {  	s16 =	simm.s32 @!p1 $0x0;
	v3 =	vpsel p4, v2, v3  }
0x7f: {  	s16 =	ssub.s32 $0x0, s16;
	[tilespmem:s15+$0xFFFFFF90] =	vst v3  }
0x80: {  	v3 =	vld [tilespmem:s16+$0x1A0];
	_ =	sdelay $0x3  }
0x81: {  	p5 =	seq.s32 s14, $0x1A0;
	p1 =	slt.u32 s7, $0x1B0;
	s16 =	simm.s32 $0x1  }
0x82: {  	s16 =	simm.s32 @!p1 $0x0;
	v3 =	vpsel p5, v2, v3  }
0x83: {  	s16 =	ssub.s32 $0x0, s16;
	[tilespmem:s15+$0xFFFFFFA0] =	vst v3  }
0x84: {  	v3 =	vld [tilespmem:s16+$0x1B0];
	_ =	sdelay $0x3  }
0x85: {  	p6 =	seq.s32 s14, $0x1B0;
	p1 =	slt.u32 s7, $0x1C0;
	s16 =	simm.s32 $0x1  }
0x86: {  	s16 =	simm.s32 @!p1 $0x0;
	v3 =	vpsel p6, v2, v3  }
0x87: {  	s16 =	ssub.s32 $0x0, s16;
	[tilespmem:s15+$0xFFFFFFB0] =	vst v3  }
0x88: {  	v3 =	vld [tilespmem:s16+$0x1C0];
	_ =	sdelay $0x3  }
0x89: {  	p2 =	seq.s32 s14, $0x1C0;
	p1 =	slt.u32 s7, $0x1D0;
	s16 =	simm.s32 $0x1  }
0x8a: {  	s16 =	simm.s32 @!p1 $0x0;
	v3 =	vpsel p2, v2, v3  }
0x8b: {  	s16 =	ssub.s32 $0x0, s16;
	[tilespmem:s15+$0xFFFFFFC0] =	vst v3  }
0x8c: {  	v3 =	vld [tilespmem:s16+$0x1D0];
	_ =	sdelay $0x3  }
0x8d: {  	p3 =	seq.s32 s14, $0x1D0;
	p1 =	slt.u32 s7, $0x1E0;
	s16 =	simm.s32 $0x1  }
0x8e: {  	s16 =	simm.s32 @!p1 $0x0;
	v3 =	vpsel p3, v2, v3  }
0x8f: {  	s16 =	ssub.s32 $0x0, s16;
	[tilespmem:s15+$0xFFFFFFD0] =	vst v3  }
0x90: {  	v3 =	vld [tilespmem:s16+$0x1E0];
	_ =	sdelay $0x3  }
0x91: {  	p4 =	seq.s32 s14, $0x1E0;
	p1 =	slt.u32 s7, $0x1F0;
	s16 =	simm.s32 $0x1  }
0x92: {  	s16 =	simm.s32 @!p1 $0x0;
	v3 =	vpsel p4, v2, v3  }
0x93: {  	s16 =	ssub.s32 $0x0, s16;
	[tilespmem:s15+$0xFFFFFFE0] =	vst v3  }
0x94: {  	v3 =	vld [tilespmem:s16+$0x1F0];
	_ =	sdelay $0x3  }
0x95: {  	p5 =	seq.s32 s14, $0x1F0;
	p1 =	slt.u32 s7, $0x200;
	s16 =	simm.s32 $0x1  }
0x96: {  	s16 =	simm.s32 @!p1 $0x0;
	v3 =	vpsel p5, v2, v3  }
0x97: {  	s16 =	ssub.s32 $0x0, s16;
	[tilespmem:s15+$0xFFFFFFF0] =	vst v3  }
0x98: {  	v3 =	vld [tilespmem:s16+$0x200];
	_ =	sdelay $0x3  }
0x99: {  	p6 =	seq.s32 s14, $0x200;
	p1 =	slt.u32 s7, $0x210;
	s16 =	simm.s32 $0x1  }
0x9a: {  	s16 =	simm.s32 @!p1 $0x0;
	v3 =	vpsel p6, v2, v3  }
0x9b: {  	s16 =	ssub.s32 $0x0, s16;
	[tilespmem:s15+$0x0] =	vst v3  }
0x9c: {  	v3 =	vld [tilespmem:s16+$0x210];
	_ =	sdelay $0x3  }
0x9d: {  	p2 =	seq.s32 s14, $0x210;
	p1 =	slt.u32 s7, $0x220;
	s16 =	simm.s32 $0x1  }
0x9e: {  	s16 =	simm.s32 @!p1 $0x0;
	v3 =	vpsel p2, v2, v3  }
0x9f: {  	s16 =	ssub.s32 $0x0, s16;
	[tilespmem:s15+$0x10] =	vst v3  }
0xa0: {  	v3 =	vld [tilespmem:s16+$0x220];
	_ =	sdelay $0x3  }
0xa1: {  	p3 =	seq.s32 s14, $0x220;
	p1 =	slt.u32 s7, $0x230;
	s16 =	simm.s32 $0x1  }
0xa2: {  	s16 =	simm.s32 @!p1 $0x0;
	v3 =	vpsel p3, v2, v3  }
0xa3: {  	s16 =	ssub.s32 $0x0, s16;
	[tilespmem:s15+$0x20] =	vst v3  }
0xa4: {  	v3 =	vld [tilespmem:s16+$0x230];
	_ =	sdelay $0x3  }
0xa5: {  	p4 =	seq.s32 s14, $0x230;
	p1 =	slt.u32 s7, $0x240;
	s16 =	simm.s32 $0x1  }
0xa6: {  	s16 =	simm.s32 @!p1 $0x0;
	v3 =	vpsel p4, v2, v3  }
0xa7: {  	s16 =	ssub.s32 $0x0, s16;
	[tilespmem:s15+$0x30] =	vst v3  }
0xa8: {  	v3 =	vld [tilespmem:s16+$0x240];
	_ =	sdelay $0x3  }
0xa9: {  	p5 =	seq.s32 s14, $0x240;
	p1 =	slt.u32 s7, $0x250;
	s16 =	simm.s32 $0x1  }
0xaa: {  	s16 =	simm.s32 @!p1 $0x0;
	v3 =	vpsel p5, v2, v3  }
0xab: {  	s16 =	ssub.s32 $0x0, s16;
	[tilespmem:s15+$0x40] =	vst v3  }
0xac: {  	v3 =	vld [tilespmem:s16+$0x250];
	_ =	sdelay $0x3  }
0xad: {  	p6 =	seq.s32 s14, $0x250;
	p1 =	slt.u32 s7, $0x260;
	s16 =	simm.s32 $0x1  }
0xae: {  	s16 =	simm.s32 @!p1 $0x0;
	v3 =	vpsel p6, v2, v3  }
0xaf: {  	s16 =	ssub.s32 $0x0, s16;
	[tilespmem:s15+$0x50] =	vst v3  }
0xb0: {  	v3 =	vld [tilespmem:s16+$0x260];
	_ =	sdelay $0x3  }
0xb1: {  	p2 =	seq.s32 s14, $0x260;
	p1 =	slt.u32 s7, $0x270;
	s16 =	simm.s32 $0x1  }
0xb2: {  	s16 =	simm.s32 @!p1 $0x0;
	v3 =	vpsel p2, v2, v3  }
0xb3: {  	s16 =	ssub.s32 $0x0, s16;
	[tilespmem:s15+$0x60] =	vst v3  }
0xb4: {  	v3 =	vld [tilespmem:s16+$0x270];
	_ =	sdelay $0x3  }
0xb5: {  	p3 =	seq.s32 s14, $0x270;
	p1 =	slt.u32 s7, $0x280;
	s16 =	simm.s32 $0x1  }
0xb6: {  	s16 =	simm.s32 @!p1 $0x0;
	v3 =	vpsel p3, v2, v3  }
0xb7: {  	s16 =	ssub.s32 $0x0, s16;
	[tilespmem:s15+$0x70] =	vst v3  }
0xb8: {  	v3 =	vld [tilespmem:s16+$0x280];
	_ =	sdelay $0x3  }
0xb9: {  	p4 =	seq.s32 s14, $0x280;
	p1 =	slt.u32 s7, $0x290;
	s16 =	simm.s32 $0x1  }
0xba: {  	s16 =	simm.s32 @!p1 $0x0;
	v3 =	vpsel p4, v2, v3  }
0xbb: {  	s16 =	ssub.s32 $0x0, s16;
	[tilespmem:s15+$0x80] =	vst v3  }
0xbc: {  	v3 =	vld [tilespmem:s16+$0x290];
	_ =	sdelay $0x3  }
0xbd: {  	p5 =	seq.s32 s14, $0x290;
	p1 =	slt.u32 s7, $0x2A0;
	s16 =	simm.s32 $0x1  }
0xbe: {  	s16 =	simm.s32 @!p1 $0x0;
	v3 =	vpsel p5, v2, v3  }
0xbf: {  	s16 =	ssub.s32 $0x0, s16;
	[tilespmem:s15+$0x90] =	vst v3  }
0xc0: {  	v3 =	vld [tilespmem:s16+$0x2A0];
	_ =	sdelay $0x3  }
0xc1: {  	p6 =	seq.s32 s14, $0x2A0;
	p1 =	slt.u32 s7, $0x2B0;
	s16 =	simm.s32 $0x1  }
0xc2: {  	s16 =	simm.s32 @!p1 $0x0;
	v3 =	vpsel p6, v2, v3  }
0xc3: {  	s16 =	ssub.s32 $0x0, s16;
	[tilespmem:s15+$0xA0] =	vst v3  }
0xc4: {  	v3 =	vld [tilespmem:s16+$0x2B0];
	_ =	sdelay $0x3  }
0xc5: {  	p2 =	seq.s32 s14, $0x2B0;
	p1 =	slt.u32 s7, $0x2C0;
	s16 =	simm.s32 $0x1  }
0xc6: {  	s16 =	simm.s32 @!p1 $0x0;
	v3 =	vpsel p2, v2, v3  }
0xc7: {  	s16 =	ssub.s32 $0x0, s16;
	[tilespmem:s15+$0xB0] =	vst v3  }
0xc8: {  	v3 =	vld [tilespmem:s16+$0x2C0];
	_ =	sdelay $0x3  }
0xc9: {  	p3 =	seq.s32 s14, $0x2C0;
	p1 =	slt.u32 s7, $0x2D0;
	s16 =	simm.s32 $0x1  }
0xca: {  	s16 =	simm.s32 @!p1 $0x0;
	v3 =	vpsel p3, v2, v3  }
0xcb: {  	s16 =	ssub.s32 $0x0, s16;
	[tilespmem:s15+$0xC0] =	vst v3  }
0xcc: {  	v3 =	vld [tilespmem:s16+$0x2D0];
	_ =	sdelay $0x3  }
0xcd: {  	p4 =	seq.s32 s14, $0x2D0;
	p1 =	slt.u32 s7, $0x2E0;
	s16 =	simm.s32 $0x1  }
0xce: {  	s16 =	simm.s32 @!p1 $0x0;
	v3 =	vpsel p4, v2, v3  }
0xcf: {  	s16 =	ssub.s32 $0x0, s16;
	[tilespmem:s15+$0xD0] =	vst v3  }
0xd0: {  	v3 =	vld [tilespmem:s16+$0x2E0];
	_ =	sdelay $0x3  }
0xd1: {  	p5 =	seq.s32 s14, $0x2E0;
	p1 =	slt.u32 s7, $0x2F0;
	s16 =	simm.s32 $0x1  }
0xd2: {  	s16 =	simm.s32 @!p1 $0x0;
	v3 =	vpsel p5, v2, v3  }
0xd3: {  	s16 =	ssub.s32 $0x0, s16;
	[tilespmem:s15+$0xE0] =	vst v3  }
0xd4: {  	v3 =	vld [tilespmem:s16+$0x2F0];
	_ =	sdelay $0x3  }
0xd5: {  	p6 =	seq.s32 s14, $0x2F0;
	p1 =	slt.u32 s7, $0x300;
	s16 =	simm.s32 $0x1  }
0xd6: {  	s16 =	simm.s32 @!p1 $0x0;
	v3 =	vpsel p6, v2, v3  }
0xd7: {  	s16 =	ssub.s32 $0x0, s16;
	[tilespmem:s15+$0xF0] =	vst v3  }
0xd8: {  	v3 =	vld [tilespmem:s16+$0x300];
	_ =	sdelay $0x3  }
0xd9: {  	p2 =	seq.s32 s14, $0x300;
	p1 =	slt.u32 s7, $0x310;
	s16 =	simm.s32 $0x1  }
0xda: {  	s16 =	simm.s32 @!p1 $0x0;
	v3 =	vpsel p2, v2, v3  }
0xdb: {  	s16 =	ssub.s32 $0x0, s16;
	[tilespmem:s15+$0x100] =	vst v3  }
0xdc: {  	v3 =	vld [tilespmem:s16+$0x310];
	_ =	sdelay $0x3  }
0xdd: {  	p3 =	seq.s32 s14, $0x310;
	p1 =	slt.u32 s7, $0x320;
	s16 =	simm.s32 $0x1  }
0xde: {  	s16 =	simm.s32 @!p1 $0x0;
	v3 =	vpsel p3, v2, v3  }
0xdf: {  	s16 =	ssub.s32 $0x0, s16;
	[tilespmem:s15+$0x110] =	vst v3  }
0xe0: {  	v3 =	vld [tilespmem:s16+$0x320];
	_ =	sdelay $0x3  }
0xe1: {  	p4 =	seq.s32 s14, $0x320;
	p1 =	slt.u32 s7, $0x330;
	s16 =	simm.s32 $0x1  }
0xe2: {  	s16 =	simm.s32 @!p1 $0x0;
	v3 =	vpsel p4, v2, v3  }
0xe3: {  	s16 =	ssub.s32 $0x0, s16;
	[tilespmem:s15+$0x120] =	vst v3  }
0xe4: {  	v3 =	vld [tilespmem:s16+$0x330];
	_ =	sdelay $0x3  }
0xe5: {  	p5 =	seq.s32 s14, $0x330;
	p1 =	slt.u32 s7, $0x340;
	s16 =	simm.s32 $0x1  }
0xe6: {  	s16 =	simm.s32 @!p1 $0x0;
	v3 =	vpsel p5, v2, v3  }
0xe7: {  	s16 =	ssub.s32 $0x0, s16;
	[tilespmem:s15+$0x130] =	vst v3  }
0xe8: {  	v3 =	vld [tilespmem:s16+$0x340];
	_ =	sdelay $0x3  }
0xe9: {  	p6 =	seq.s32 s14, $0x340;
	p1 =	slt.u32 s7, $0x350;
	s16 =	simm.s32 $0x1  }
0xea: {  	s16 =	simm.s32 @!p1 $0x0;
	v3 =	vpsel p6, v2, v3  }
0xeb: {  	s16 =	ssub.s32 $0x0, s16;
	[tilespmem:s15+$0x140] =	vst v3  }
0xec: {  	v3 =	vld [tilespmem:s16+$0x350];
	_ =	sdelay $0x3  }
0xed: {  	p2 =	seq.s32 s14, $0x350;
	p1 =	slt.u32 s7, $0x360;
	s16 =	simm.s32 $0x1  }
0xee: {  	s16 =	simm.s32 @!p1 $0x0;
	v3 =	vpsel p2, v2, v3  }
0xef: {  	s16 =	ssub.s32 $0x0, s16;
	[tilespmem:s15+$0x150] =	vst v3  }
0xf0: {  	v3 =	vld [tilespmem:s16+$0x360];
	_ =	sdelay $0x3  }
0xf1: {  	p3 =	seq.s32 s14, $0x360;
	p1 =	slt.u32 s7, $0x370;
	s16 =	simm.s32 $0x1  }
0xf2: {  	s16 =	simm.s32 @!p1 $0x0;
	v3 =	vpsel p3, v2, v3  }
0xf3: {  	s16 =	ssub.s32 $0x0, s16;
	[tilespmem:s15+$0x160] =	vst v3  }
0xf4: {  	v3 =	vld [tilespmem:s16+$0x370];
	_ =	sdelay $0x3  }
0xf5: {  	p4 =	seq.s32 s14, $0x370;
	p1 =	slt.u32 s7, $0x380;
	s16 =	simm.s32 $0x1  }
0xf6: {  	s16 =	simm.s32 @!p1 $0x0;
	v3 =	vpsel p4, v2, v3  }
0xf7: {  	s16 =	ssub.s32 $0x0, s16;
	[tilespmem:s15+$0x170] =	vst v3  }
0xf8: {  	v3 =	vld [tilespmem:s16+$0x380];
	_ =	sdelay $0x3  }
0xf9: {  	p5 =	seq.s32 s14, $0x380;
	p1 =	slt.u32 s7, $0x390;
	s16 =	simm.s32 $0x1  }
0xfa: {  	s16 =	simm.s32 @!p1 $0x0;
	v3 =	vpsel p5, v2, v3  }
0xfb: {  	s16 =	ssub.s32 $0x0, s16;
	[tilespmem:s15+$0x180] =	vst v3  }
0xfc: {  	v3 =	vld [tilespmem:s16+$0x390];
	_ =	sdelay $0x3  }
0xfd: {  	p6 =	seq.s32 s14, $0x390;
	p1 =	slt.u32 s7, $0x3A0;
	s16 =	simm.s32 $0x1  }
0xfe: {  	s16 =	simm.s32 @!p1 $0x0;
	v3 =	vpsel p6, v2, v3  }
0xff: {  	s16 =	ssub.s32 $0x0, s16;
	[tilespmem:s15+$0x190] =	vst v3  }
0x100: {  	v3 =	vld [tilespmem:s16+$0x3A0];
	_ =	sdelay $0x3  }
0x101: {  	p2 =	seq.s32 s14, $0x3A0;
	p1 =	slt.u32 s7, $0x3B0;
	s16 =	simm.s32 $0x1  }
0x102: {  	s16 =	simm.s32 @!p1 $0x0;
	v3 =	vpsel p2, v2, v3  }
0x103: {  	s16 =	ssub.s32 $0x0, s16;
	[tilespmem:s15+$0x1A0] =	vst v3  }
0x104: {  	v3 =	vld [tilespmem:s16+$0x3B0];
	_ =	sdelay $0x3  }
0x105: {  	p3 =	seq.s32 s14, $0x3B0;
	p1 =	slt.u32 s7, $0x3C0;
	s16 =	simm.s32 $0x1  }
0x106: {  	s16 =	simm.s32 @!p1 $0x0;
	v3 =	vpsel p3, v2, v3  }
0x107: {  	s16 =	ssub.s32 $0x0, s16;
	[tilespmem:s15+$0x1B0] =	vst v3  }
0x108: {  	v3 =	vld [tilespmem:s16+$0x3C0];
	_ =	sdelay $0x3  }
0x109: {  	p4 =	seq.s32 s14, $0x3C0;
	p1 =	slt.u32 s7, $0x3D0;
	s16 =	simm.s32 $0x1  }
0x10a: {  	s16 =	simm.s32 @!p1 $0x0;
	v3 =	vpsel p4, v2, v3  }
0x10b: {  	s16 =	ssub.s32 $0x0, s16;
	[tilespmem:s15+$0x1C0] =	vst v3  }
0x10c: {  	v3 =	vld [tilespmem:s16+$0x3D0];
	_ =	sdelay $0x3  }
0x10d: {  	p5 =	seq.s32 s14, $0x3D0;
	p1 =	slt.u32 s7, $0x3E0;
	s16 =	simm.s32 $0x1  }
0x10e: {  	s16 =	simm.s32 @!p1 $0x0;
	v3 =	vpsel p5, v2, v3  }
0x10f: {  	s16 =	ssub.s32 $0x0, s16;
	[tilespmem:s15+$0x1D0] =	vst v3  }
0x110: {  	v3 =	vld [tilespmem:s16+$0x3E0];
	_ =	sdelay $0x1  }
0x111: {  	s17 =	simm.s32 $0xFFC  }
0x112: {  	s19 =	simm.s32 $0x1FF8;
	p0 =	slt.u32 s7, $0x3F0;
	s16 =	simm.s32 $0x1  }
0x113: {  	p6 =	seq.s32 s14, $0x3E0;
	s14 =	sadd.s32 $0x1, s7;
	s16 =	simm.s32 @!p0 $0x0  }
0x114: {  	s18 =	smov.u32 s7;
	s20 =	ssub.s32 $0x0, s16;
	s16 =	sand.u32 $0x3F0, s14;
	v3 =	vpsel p6, v2, v3  }
.LBB2_3:
0x115: {  	p0 =	sne.s32 s19, $0x1EF84;
	v4 =	vor.u32 s16, v0;
	[tilespmem:s15+$0x1E0] =	vst v3  }
0x116: {  	s13 =	sadd.s32 $0x3FF, s13;
	vm0 =	vgt.u32 v4, s14;
	v3 =	vld [tilespmem:s20+$0x3F0]  }
0x117: {  	v5 =	vadd.s32 s13, v4;
	v6 =	vsel vm0, $0xFFFFFFFF, v1  }
0x118: {  	v5 =	vadd.s32 v6, v5;
	_ =	sdelay $0x1  }
0x119: {  	p1 =	sgt.u32 s18, $0x3EF;
	s18 =	smov.u32 s14  }
0x11a: {  	v2 =	vpsel p1, v2, v3  }
0x11b: {  	[tilespmem:s15+$0x1F0] =	vst v2  }
0x11c: {  	s20 =	simm.s32 $0x1;
	p1 =	slt.u32 s14, $0x3F0;
	v2 =	vld.idx.msk [tilespmem:v5+s3+$0x0], $0xffff  }
0x11d: {  	s21 =	sshra.s32 s17, $0x2;
	s17 =	smov.u32 s19;
	s20 =	simm.s32 @!p1 $0x0  }
0x11e: {  	s20 =	ssub.s32 s21, s20;
	v3 =	vld [tilespmem:s21+$0x0];
	_ =	sdelay $0x2  }
0x11f: {  	vm0 =	veq.s32 v4, s14  }
0x120: {  	s22 =	simm.s32 $0x1;
	p1 =	slt.u32 s14, $0x10;
	v2 =	vsel vm0, $0x0, v2  }
0x121: {  	s15 =	sadd.s32 $0x400, s15;
	s22 =	simm.s32 @!p1 $0x0;
	v3 =	vpsel p1, v2, v3  }
0x122: {  	s22 =	ssub.s32 s21, s22;
	[tilespmem:s15+$0xFFFFFE00] =	vst v3  }
0x123: {  	v3 =	vld [tilespmem:s22+$0x10];
	_ =	sdelay $0x3  }
0x124: {  	p2 =	slt.u32 s14, $0x20;
	p1 =	seq.s32 s16, $0x10;
	s22 =	simm.s32 $0x1  }
0x125: {  	s22 =	simm.s32 @!p2 $0x0;
	v3 =	vpsel p1, v2, v3  }
0x126: {  	s22 =	ssub.s32 s21, s22;
	[tilespmem:s15+$0xFFFFFE10] =	vst v3  }
0x127: {  	v3 =	vld [tilespmem:s22+$0x20];
	_ =	sdelay $0x3  }
0x128: {  	p2 =	slt.u32 s14, $0x30;
	p1 =	seq.s32 s16, $0x20;
	s22 =	simm.s32 $0x1  }
0x129: {  	s22 =	simm.s32 @!p2 $0x0;
	v3 =	vpsel p1, v2, v3  }
0x12a: {  	s22 =	ssub.s32 s21, s22;
	[tilespmem:s15+$0xFFFFFE20] =	vst v3  }
0x12b: {  	v3 =	vld [tilespmem:s22+$0x30];
	_ =	sdelay $0x3  }
0x12c: {  	p2 =	slt.u32 s14, $0x40;
	p1 =	seq.s32 s16, $0x30;
	s22 =	simm.s32 $0x1  }
0x12d: {  	s22 =	simm.s32 @!p2 $0x0;
	v3 =	vpsel p1, v2, v3  }
0x12e: {  	s22 =	ssub.s32 s21, s22;
	[tilespmem:s15+$0xFFFFFE30] =	vst v3  }
0x12f: {  	v3 =	vld [tilespmem:s22+$0x40];
	_ =	sdelay $0x3  }
0x130: {  	p2 =	slt.u32 s14, $0x50;
	p1 =	seq.s32 s16, $0x40;
	s22 =	simm.s32 $0x1  }
0x131: {  	s22 =	simm.s32 @!p2 $0x0;
	v3 =	vpsel p1, v2, v3  }
0x132: {  	s22 =	ssub.s32 s21, s22;
	[tilespmem:s15+$0xFFFFFE40] =	vst v3  }
0x133: {  	v3 =	vld [tilespmem:s22+$0x50];
	_ =	sdelay $0x3  }
0x134: {  	p2 =	slt.u32 s14, $0x60;
	p1 =	seq.s32 s16, $0x50;
	s22 =	simm.s32 $0x1  }
0x135: {  	s22 =	simm.s32 @!p2 $0x0;
	v3 =	vpsel p1, v2, v3  }
0x136: {  	s22 =	ssub.s32 s21, s22;
	[tilespmem:s15+$0xFFFFFE50] =	vst v3  }
0x137: {  	v3 =	vld [tilespmem:s22+$0x60];
	_ =	sdelay $0x3  }
0x138: {  	p2 =	slt.u32 s14, $0x70;
	p1 =	seq.s32 s16, $0x60;
	s22 =	simm.s32 $0x1  }
0x139: {  	s22 =	simm.s32 @!p2 $0x0;
	v3 =	vpsel p1, v2, v3  }
0x13a: {  	s22 =	ssub.s32 s21, s22;
	[tilespmem:s15+$0xFFFFFE60] =	vst v3  }
0x13b: {  	v3 =	vld [tilespmem:s22+$0x70];
	_ =	sdelay $0x3  }
0x13c: {  	p2 =	slt.u32 s14, $0x80;
	p1 =	seq.s32 s16, $0x70;
	s22 =	simm.s32 $0x1  }
0x13d: {  	s22 =	simm.s32 @!p2 $0x0;
	v3 =	vpsel p1, v2, v3  }
0x13e: {  	s22 =	ssub.s32 s21, s22;
	[tilespmem:s15+$0xFFFFFE70] =	vst v3  }
0x13f: {  	v3 =	vld [tilespmem:s22+$0x80];
	_ =	sdelay $0x3  }
0x140: {  	p2 =	slt.u32 s14, $0x90;
	p1 =	seq.s32 s16, $0x80;
	s22 =	simm.s32 $0x1  }
0x141: {  	s22 =	simm.s32 @!p2 $0x0;
	v3 =	vpsel p1, v2, v3  }
0x142: {  	s22 =	ssub.s32 s21, s22;
	[tilespmem:s15+$0xFFFFFE80] =	vst v3  }
0x143: {  	v3 =	vld [tilespmem:s22+$0x90];
	_ =	sdelay $0x3  }
0x144: {  	p2 =	slt.u32 s14, $0xA0;
	p1 =	seq.s32 s16, $0x90;
	s22 =	simm.s32 $0x1  }
0x145: {  	s22 =	simm.s32 @!p2 $0x0;
	v3 =	vpsel p1, v2, v3  }
0x146: {  	s22 =	ssub.s32 s21, s22;
	[tilespmem:s15+$0xFFFFFE90] =	vst v3  }
0x147: {  	v3 =	vld [tilespmem:s22+$0xA0];
	_ =	sdelay $0x3  }
0x148: {  	p2 =	slt.u32 s14, $0xB0;
	p1 =	seq.s32 s16, $0xA0;
	s22 =	simm.s32 $0x1  }
0x149: {  	s22 =	simm.s32 @!p2 $0x0;
	v3 =	vpsel p1, v2, v3  }
0x14a: {  	s22 =	ssub.s32 s21, s22;
	[tilespmem:s15+$0xFFFFFEA0] =	vst v3  }
0x14b: {  	v3 =	vld [tilespmem:s22+$0xB0];
	_ =	sdelay $0x3  }
0x14c: {  	p2 =	slt.u32 s14, $0xC0;
	p1 =	seq.s32 s16, $0xB0;
	s22 =	simm.s32 $0x1  }
0x14d: {  	s22 =	simm.s32 @!p2 $0x0;
	v3 =	vpsel p1, v2, v3  }
0x14e: {  	s22 =	ssub.s32 s21, s22;
	[tilespmem:s15+$0xFFFFFEB0] =	vst v3  }
0x14f: {  	v3 =	vld [tilespmem:s22+$0xC0];
	_ =	sdelay $0x3  }
0x150: {  	p2 =	slt.u32 s14, $0xD0;
	p1 =	seq.s32 s16, $0xC0;
	s22 =	simm.s32 $0x1  }
0x151: {  	s22 =	simm.s32 @!p2 $0x0;
	v3 =	vpsel p1, v2, v3  }
0x152: {  	s22 =	ssub.s32 s21, s22;
	[tilespmem:s15+$0xFFFFFEC0] =	vst v3  }
0x153: {  	v3 =	vld [tilespmem:s22+$0xD0];
	_ =	sdelay $0x3  }
0x154: {  	p2 =	slt.u32 s14, $0xE0;
	p1 =	seq.s32 s16, $0xD0;
	s22 =	simm.s32 $0x1  }
0x155: {  	s22 =	simm.s32 @!p2 $0x0;
	v3 =	vpsel p1, v2, v3  }
0x156: {  	s22 =	ssub.s32 s21, s22;
	[tilespmem:s15+$0xFFFFFED0] =	vst v3  }
0x157: {  	v3 =	vld [tilespmem:s22+$0xE0];
	_ =	sdelay $0x3  }
0x158: {  	p2 =	slt.u32 s14, $0xF0;
	p1 =	seq.s32 s16, $0xE0;
	s22 =	simm.s32 $0x1  }
0x159: {  	s22 =	simm.s32 @!p2 $0x0;
	v3 =	vpsel p1, v2, v3  }
0x15a: {  	s22 =	ssub.s32 s21, s22;
	[tilespmem:s15+$0xFFFFFEE0] =	vst v3  }
0x15b: {  	v3 =	vld [tilespmem:s22+$0xF0];
	_ =	sdelay $0x3  }
0x15c: {  	p2 =	slt.u32 s14, $0x100;
	p1 =	seq.s32 s16, $0xF0;
	s22 =	simm.s32 $0x1  }
0x15d: {  	s22 =	simm.s32 @!p2 $0x0;
	v3 =	vpsel p1, v2, v3  }
0x15e: {  	s22 =	ssub.s32 s21, s22;
	[tilespmem:s15+$0xFFFFFEF0] =	vst v3  }
0x15f: {  	v3 =	vld [tilespmem:s22+$0x100];
	_ =	sdelay $0x3  }
0x160: {  	p2 =	slt.u32 s14, $0x110;
	p1 =	seq.s32 s16, $0x100;
	s22 =	simm.s32 $0x1  }
0x161: {  	s22 =	simm.s32 @!p2 $0x0;
	v3 =	vpsel p1, v2, v3  }
0x162: {  	s22 =	ssub.s32 s21, s22;
	[tilespmem:s15+$0xFFFFFF00] =	vst v3  }
0x163: {  	v3 =	vld [tilespmem:s22+$0x110];
	_ =	sdelay $0x3  }
0x164: {  	p2 =	slt.u32 s14, $0x120;
	p1 =	seq.s32 s16, $0x110;
	s22 =	simm.s32 $0x1  }
0x165: {  	s22 =	simm.s32 @!p2 $0x0;
	v3 =	vpsel p1, v2, v3  }
0x166: {  	s22 =	ssub.s32 s21, s22;
	[tilespmem:s15+$0xFFFFFF10] =	vst v3  }
0x167: {  	v3 =	vld [tilespmem:s22+$0x120];
	_ =	sdelay $0x3  }
0x168: {  	p2 =	slt.u32 s14, $0x130;
	p1 =	seq.s32 s16, $0x120;
	s22 =	simm.s32 $0x1  }
0x169: {  	s22 =	simm.s32 @!p2 $0x0;
	v3 =	vpsel p1, v2, v3  }
0x16a: {  	s22 =	ssub.s32 s21, s22;
	[tilespmem:s15+$0xFFFFFF20] =	vst v3  }
0x16b: {  	v3 =	vld [tilespmem:s22+$0x130];
	_ =	sdelay $0x3  }
0x16c: {  	p2 =	slt.u32 s14, $0x140;
	p1 =	seq.s32 s16, $0x130;
	s22 =	simm.s32 $0x1  }
0x16d: {  	s22 =	simm.s32 @!p2 $0x0;
	v3 =	vpsel p1, v2, v3  }
0x16e: {  	s22 =	ssub.s32 s21, s22;
	[tilespmem:s15+$0xFFFFFF30] =	vst v3  }
0x16f: {  	v3 =	vld [tilespmem:s22+$0x140];
	_ =	sdelay $0x3  }
0x170: {  	p2 =	slt.u32 s14, $0x150;
	p1 =	seq.s32 s16, $0x140;
	s22 =	simm.s32 $0x1  }
0x171: {  	s22 =	simm.s32 @!p2 $0x0;
	v3 =	vpsel p1, v2, v3  }
0x172: {  	s22 =	ssub.s32 s21, s22;
	[tilespmem:s15+$0xFFFFFF40] =	vst v3  }
0x173: {  	v3 =	vld [tilespmem:s22+$0x150];
	_ =	sdelay $0x3  }
0x174: {  	p2 =	slt.u32 s14, $0x160;
	p1 =	seq.s32 s16, $0x150;
	s22 =	simm.s32 $0x1  }
0x175: {  	s22 =	simm.s32 @!p2 $0x0;
	v3 =	vpsel p1, v2, v3  }
0x176: {  	s22 =	ssub.s32 s21, s22;
	[tilespmem:s15+$0xFFFFFF50] =	vst v3  }
0x177: {  	v3 =	vld [tilespmem:s22+$0x160];
	_ =	sdelay $0x3  }
0x178: {  	p2 =	slt.u32 s14, $0x170;
	p1 =	seq.s32 s16, $0x160;
	s22 =	simm.s32 $0x1  }
0x179: {  	s22 =	simm.s32 @!p2 $0x0;
	v3 =	vpsel p1, v2, v3  }
0x17a: {  	s22 =	ssub.s32 s21, s22;
	[tilespmem:s15+$0xFFFFFF60] =	vst v3  }
0x17b: {  	v3 =	vld [tilespmem:s22+$0x170];
	_ =	sdelay $0x3  }
0x17c: {  	p2 =	slt.u32 s14, $0x180;
	p1 =	seq.s32 s16, $0x170;
	s22 =	simm.s32 $0x1  }
0x17d: {  	s22 =	simm.s32 @!p2 $0x0;
	v3 =	vpsel p1, v2, v3  }
0x17e: {  	s22 =	ssub.s32 s21, s22;
	[tilespmem:s15+$0xFFFFFF70] =	vst v3  }
0x17f: {  	v3 =	vld [tilespmem:s22+$0x180];
	_ =	sdelay $0x3  }
0x180: {  	p2 =	slt.u32 s14, $0x190;
	p1 =	seq.s32 s16, $0x180;
	s22 =	simm.s32 $0x1  }
0x181: {  	s22 =	simm.s32 @!p2 $0x0;
	v3 =	vpsel p1, v2, v3  }
0x182: {  	s22 =	ssub.s32 s21, s22;
	[tilespmem:s15+$0xFFFFFF80] =	vst v3  }
0x183: {  	v3 =	vld [tilespmem:s22+$0x190];
	_ =	sdelay $0x3  }
0x184: {  	p2 =	slt.u32 s14, $0x1A0;
	p1 =	seq.s32 s16, $0x190;
	s22 =	simm.s32 $0x1  }
0x185: {  	s22 =	simm.s32 @!p2 $0x0;
	v3 =	vpsel p1, v2, v3  }
0x186: {  	s22 =	ssub.s32 s21, s22;
	[tilespmem:s15+$0xFFFFFF90] =	vst v3  }
0x187: {  	v3 =	vld [tilespmem:s22+$0x1A0];
	_ =	sdelay $0x3  }
0x188: {  	p2 =	slt.u32 s14, $0x1B0;
	p1 =	seq.s32 s16, $0x1A0;
	s22 =	simm.s32 $0x1  }
0x189: {  	s22 =	simm.s32 @!p2 $0x0;
	v3 =	vpsel p1, v2, v3  }
0x18a: {  	s22 =	ssub.s32 s21, s22;
	[tilespmem:s15+$0xFFFFFFA0] =	vst v3  }
0x18b: {  	v3 =	vld [tilespmem:s22+$0x1B0];
	_ =	sdelay $0x3  }
0x18c: {  	p2 =	slt.u32 s14, $0x1C0;
	p1 =	seq.s32 s16, $0x1B0;
	s22 =	simm.s32 $0x1  }
0x18d: {  	s22 =	simm.s32 @!p2 $0x0;
	v3 =	vpsel p1, v2, v3  }
0x18e: {  	s22 =	ssub.s32 s21, s22;
	[tilespmem:s15+$0xFFFFFFB0] =	vst v3  }
0x18f: {  	v3 =	vld [tilespmem:s22+$0x1C0];
	_ =	sdelay $0x3  }
0x190: {  	p2 =	slt.u32 s14, $0x1D0;
	p1 =	seq.s32 s16, $0x1C0;
	s22 =	simm.s32 $0x1  }
0x191: {  	s22 =	simm.s32 @!p2 $0x0;
	v3 =	vpsel p1, v2, v3  }
0x192: {  	s22 =	ssub.s32 s21, s22;
	[tilespmem:s15+$0xFFFFFFC0] =	vst v3  }
0x193: {  	v3 =	vld [tilespmem:s22+$0x1D0];
	_ =	sdelay $0x3  }
0x194: {  	p2 =	slt.u32 s14, $0x1E0;
	p1 =	seq.s32 s16, $0x1D0;
	s22 =	simm.s32 $0x1  }
0x195: {  	s22 =	simm.s32 @!p2 $0x0;
	v3 =	vpsel p1, v2, v3  }
0x196: {  	s22 =	ssub.s32 s21, s22;
	[tilespmem:s15+$0xFFFFFFD0] =	vst v3  }
0x197: {  	v3 =	vld [tilespmem:s22+$0x1E0];
	_ =	sdelay $0x3  }
0x198: {  	p2 =	slt.u32 s14, $0x1F0;
	p1 =	seq.s32 s16, $0x1E0;
	s22 =	simm.s32 $0x1  }
0x199: {  	s22 =	simm.s32 @!p2 $0x0;
	v3 =	vpsel p1, v2, v3  }
0x19a: {  	s22 =	ssub.s32 s21, s22;
	[tilespmem:s15+$0xFFFFFFE0] =	vst v3  }
0x19b: {  	v3 =	vld [tilespmem:s22+$0x1F0];
	_ =	sdelay $0x3  }
0x19c: {  	p2 =	slt.u32 s14, $0x200;
	p1 =	seq.s32 s16, $0x1F0;
	s22 =	simm.s32 $0x1  }
0x19d: {  	s22 =	simm.s32 @!p2 $0x0;
	v3 =	vpsel p1, v2, v3  }
0x19e: {  	s22 =	ssub.s32 s21, s22;
	[tilespmem:s15+$0xFFFFFFF0] =	vst v3  }
0x19f: {  	v3 =	vld [tilespmem:s22+$0x200];
	_ =	sdelay $0x3  }
0x1a0: {  	p2 =	slt.u32 s14, $0x210;
	p1 =	seq.s32 s16, $0x200;
	s22 =	simm.s32 $0x1  }
0x1a1: {  	s22 =	simm.s32 @!p2 $0x0;
	v3 =	vpsel p1, v2, v3  }
0x1a2: {  	s22 =	ssub.s32 s21, s22;
	[tilespmem:s15+$0x0] =	vst v3  }
0x1a3: {  	v3 =	vld [tilespmem:s22+$0x210];
	_ =	sdelay $0x3  }
0x1a4: {  	p2 =	slt.u32 s14, $0x220;
	p1 =	seq.s32 s16, $0x210;
	s22 =	simm.s32 $0x1  }
0x1a5: {  	s22 =	simm.s32 @!p2 $0x0;
	v3 =	vpsel p1, v2, v3  }
0x1a6: {  	s22 =	ssub.s32 s21, s22;
	[tilespmem:s15+$0x10] =	vst v3  }
0x1a7: {  	v3 =	vld [tilespmem:s22+$0x220];
	_ =	sdelay $0x3  }
0x1a8: {  	p2 =	slt.u32 s14, $0x230;
	p1 =	seq.s32 s16, $0x220;
	s22 =	simm.s32 $0x1  }
0x1a9: {  	s22 =	simm.s32 @!p2 $0x0;
	v3 =	vpsel p1, v2, v3  }
0x1aa: {  	s22 =	ssub.s32 s21, s22;
	[tilespmem:s15+$0x20] =	vst v3  }
0x1ab: {  	v3 =	vld [tilespmem:s22+$0x230];
	_ =	sdelay $0x3  }
0x1ac: {  	p2 =	slt.u32 s14, $0x240;
	p1 =	seq.s32 s16, $0x230;
	s22 =	simm.s32 $0x1  }
0x1ad: {  	s22 =	simm.s32 @!p2 $0x0;
	v3 =	vpsel p1, v2, v3  }
0x1ae: {  	s22 =	ssub.s32 s21, s22;
	[tilespmem:s15+$0x30] =	vst v3  }
0x1af: {  	v3 =	vld [tilespmem:s22+$0x240];
	_ =	sdelay $0x3  }
0x1b0: {  	p2 =	slt.u32 s14, $0x250;
	p1 =	seq.s32 s16, $0x240;
	s22 =	simm.s32 $0x1  }
0x1b1: {  	s22 =	simm.s32 @!p2 $0x0;
	v3 =	vpsel p1, v2, v3  }
0x1b2: {  	s22 =	ssub.s32 s21, s22;
	[tilespmem:s15+$0x40] =	vst v3  }
0x1b3: {  	v3 =	vld [tilespmem:s22+$0x250];
	_ =	sdelay $0x3  }
0x1b4: {  	p2 =	slt.u32 s14, $0x260;
	p1 =	seq.s32 s16, $0x250;
	s22 =	simm.s32 $0x1  }
0x1b5: {  	s22 =	simm.s32 @!p2 $0x0;
	v3 =	vpsel p1, v2, v3  }
0x1b6: {  	s22 =	ssub.s32 s21, s22;
	[tilespmem:s15+$0x50] =	vst v3  }
0x1b7: {  	v3 =	vld [tilespmem:s22+$0x260];
	_ =	sdelay $0x3  }
0x1b8: {  	p2 =	slt.u32 s14, $0x270;
	p1 =	seq.s32 s16, $0x260;
	s22 =	simm.s32 $0x1  }
0x1b9: {  	s22 =	simm.s32 @!p2 $0x0;
	v3 =	vpsel p1, v2, v3  }
0x1ba: {  	s22 =	ssub.s32 s21, s22;
	[tilespmem:s15+$0x60] =	vst v3  }
0x1bb: {  	v3 =	vld [tilespmem:s22+$0x270];
	_ =	sdelay $0x3  }
0x1bc: {  	p2 =	slt.u32 s14, $0x280;
	p1 =	seq.s32 s16, $0x270;
	s22 =	simm.s32 $0x1  }
0x1bd: {  	s22 =	simm.s32 @!p2 $0x0;
	v3 =	vpsel p1, v2, v3  }
0x1be: {  	s22 =	ssub.s32 s21, s22;
	[tilespmem:s15+$0x70] =	vst v3  }
0x1bf: {  	v3 =	vld [tilespmem:s22+$0x280];
	_ =	sdelay $0x3  }
0x1c0: {  	p2 =	slt.u32 s14, $0x290;
	p1 =	seq.s32 s16, $0x280;
	s22 =	simm.s32 $0x1  }
0x1c1: {  	s22 =	simm.s32 @!p2 $0x0;
	v3 =	vpsel p1, v2, v3  }
0x1c2: {  	s22 =	ssub.s32 s21, s22;
	[tilespmem:s15+$0x80] =	vst v3  }
0x1c3: {  	v3 =	vld [tilespmem:s22+$0x290];
	_ =	sdelay $0x3  }
0x1c4: {  	p2 =	slt.u32 s14, $0x2A0;
	p1 =	seq.s32 s16, $0x290;
	s22 =	simm.s32 $0x1  }
0x1c5: {  	s22 =	simm.s32 @!p2 $0x0;
	v3 =	vpsel p1, v2, v3  }
0x1c6: {  	s22 =	ssub.s32 s21, s22;
	[tilespmem:s15+$0x90] =	vst v3  }
0x1c7: {  	v3 =	vld [tilespmem:s22+$0x2A0];
	_ =	sdelay $0x3  }
0x1c8: {  	p2 =	slt.u32 s14, $0x2B0;
	p1 =	seq.s32 s16, $0x2A0;
	s22 =	simm.s32 $0x1  }
0x1c9: {  	s22 =	simm.s32 @!p2 $0x0;
	v3 =	vpsel p1, v2, v3  }
0x1ca: {  	s22 =	ssub.s32 s21, s22;
	[tilespmem:s15+$0xA0] =	vst v3  }
0x1cb: {  	v3 =	vld [tilespmem:s22+$0x2B0];
	_ =	sdelay $0x3  }
0x1cc: {  	p2 =	slt.u32 s14, $0x2C0;
	p1 =	seq.s32 s16, $0x2B0;
	s22 =	simm.s32 $0x1  }
0x1cd: {  	s22 =	simm.s32 @!p2 $0x0;
	v3 =	vpsel p1, v2, v3  }
0x1ce: {  	s22 =	ssub.s32 s21, s22;
	[tilespmem:s15+$0xB0] =	vst v3  }
0x1cf: {  	v3 =	vld [tilespmem:s22+$0x2C0];
	_ =	sdelay $0x3  }
0x1d0: {  	p2 =	slt.u32 s14, $0x2D0;
	p1 =	seq.s32 s16, $0x2C0;
	s22 =	simm.s32 $0x1  }
0x1d1: {  	s22 =	simm.s32 @!p2 $0x0;
	v3 =	vpsel p1, v2, v3  }
0x1d2: {  	s22 =	ssub.s32 s21, s22;
	[tilespmem:s15+$0xC0] =	vst v3  }
0x1d3: {  	v3 =	vld [tilespmem:s22+$0x2D0];
	_ =	sdelay $0x3  }
0x1d4: {  	p2 =	slt.u32 s14, $0x2E0;
	p1 =	seq.s32 s16, $0x2D0;
	s22 =	simm.s32 $0x1  }
0x1d5: {  	s22 =	simm.s32 @!p2 $0x0;
	v3 =	vpsel p1, v2, v3  }
0x1d6: {  	s22 =	ssub.s32 s21, s22;
	[tilespmem:s15+$0xD0] =	vst v3  }
0x1d7: {  	v3 =	vld [tilespmem:s22+$0x2E0];
	_ =	sdelay $0x3  }
0x1d8: {  	p2 =	slt.u32 s14, $0x2F0;
	p1 =	seq.s32 s16, $0x2E0;
	s22 =	simm.s32 $0x1  }
0x1d9: {  	s22 =	simm.s32 @!p2 $0x0;
	v3 =	vpsel p1, v2, v3  }
0x1da: {  	s22 =	ssub.s32 s21, s22;
	[tilespmem:s15+$0xE0] =	vst v3  }
0x1db: {  	v3 =	vld [tilespmem:s22+$0x2F0];
	_ =	sdelay $0x3  }
0x1dc: {  	p2 =	slt.u32 s14, $0x300;
	p1 =	seq.s32 s16, $0x2F0;
	s22 =	simm.s32 $0x1  }
0x1dd: {  	s22 =	simm.s32 @!p2 $0x0;
	v3 =	vpsel p1, v2, v3  }
0x1de: {  	s22 =	ssub.s32 s21, s22;
	[tilespmem:s15+$0xF0] =	vst v3  }
0x1df: {  	v3 =	vld [tilespmem:s22+$0x300];
	_ =	sdelay $0x3  }
0x1e0: {  	p2 =	slt.u32 s14, $0x310;
	p1 =	seq.s32 s16, $0x300;
	s22 =	simm.s32 $0x1  }
0x1e1: {  	s22 =	simm.s32 @!p2 $0x0;
	v3 =	vpsel p1, v2, v3  }
0x1e2: {  	s22 =	ssub.s32 s21, s22;
	[tilespmem:s15+$0x100] =	vst v3  }
0x1e3: {  	v3 =	vld [tilespmem:s22+$0x310];
	_ =	sdelay $0x3  }
0x1e4: {  	p2 =	slt.u32 s14, $0x320;
	p1 =	seq.s32 s16, $0x310;
	s22 =	simm.s32 $0x1  }
0x1e5: {  	s22 =	simm.s32 @!p2 $0x0;
	v3 =	vpsel p1, v2, v3  }
0x1e6: {  	s22 =	ssub.s32 s21, s22;
	[tilespmem:s15+$0x110] =	vst v3  }
0x1e7: {  	v3 =	vld [tilespmem:s22+$0x320];
	_ =	sdelay $0x3  }
0x1e8: {  	p2 =	slt.u32 s14, $0x330;
	p1 =	seq.s32 s16, $0x320;
	s22 =	simm.s32 $0x1  }
0x1e9: {  	s22 =	simm.s32 @!p2 $0x0;
	v3 =	vpsel p1, v2, v3  }
0x1ea: {  	s22 =	ssub.s32 s21, s22;
	[tilespmem:s15+$0x120] =	vst v3  }
0x1eb: {  	v3 =	vld [tilespmem:s22+$0x330];
	_ =	sdelay $0x3  }
0x1ec: {  	p2 =	slt.u32 s14, $0x340;
	p1 =	seq.s32 s16, $0x330;
	s22 =	simm.s32 $0x1  }
0x1ed: {  	s22 =	simm.s32 @!p2 $0x0;
	v3 =	vpsel p1, v2, v3  }
0x1ee: {  	s22 =	ssub.s32 s21, s22;
	[tilespmem:s15+$0x130] =	vst v3  }
0x1ef: {  	v3 =	vld [tilespmem:s22+$0x340];
	_ =	sdelay $0x3  }
0x1f0: {  	p2 =	slt.u32 s14, $0x350;
	p1 =	seq.s32 s16, $0x340;
	s22 =	simm.s32 $0x1  }
0x1f1: {  	s22 =	simm.s32 @!p2 $0x0;
	v3 =	vpsel p1, v2, v3  }
0x1f2: {  	s22 =	ssub.s32 s21, s22;
	[tilespmem:s15+$0x140] =	vst v3  }
0x1f3: {  	v3 =	vld [tilespmem:s22+$0x350];
	_ =	sdelay $0x3  }
0x1f4: {  	p2 =	slt.u32 s14, $0x360;
	p1 =	seq.s32 s16, $0x350;
	s22 =	simm.s32 $0x1  }
0x1f5: {  	s22 =	simm.s32 @!p2 $0x0;
	v3 =	vpsel p1, v2, v3  }
0x1f6: {  	s22 =	ssub.s32 s21, s22;
	[tilespmem:s15+$0x150] =	vst v3  }
0x1f7: {  	v3 =	vld [tilespmem:s22+$0x360];
	_ =	sdelay $0x3  }
0x1f8: {  	p2 =	slt.u32 s14, $0x370;
	p1 =	seq.s32 s16, $0x360;
	s22 =	simm.s32 $0x1  }
0x1f9: {  	s22 =	simm.s32 @!p2 $0x0;
	v3 =	vpsel p1, v2, v3  }
0x1fa: {  	s22 =	ssub.s32 s21, s22;
	[tilespmem:s15+$0x160] =	vst v3  }
0x1fb: {  	v3 =	vld [tilespmem:s22+$0x370];
	_ =	sdelay $0x3  }
0x1fc: {  	p2 =	slt.u32 s14, $0x380;
	p1 =	seq.s32 s16, $0x370;
	s22 =	simm.s32 $0x1  }
0x1fd: {  	s22 =	simm.s32 @!p2 $0x0;
	v3 =	vpsel p1, v2, v3  }
0x1fe: {  	s22 =	ssub.s32 s21, s22;
	[tilespmem:s15+$0x170] =	vst v3  }
0x1ff: {  	v3 =	vld [tilespmem:s22+$0x380];
	_ =	sdelay $0x3  }
0x200: {  	p2 =	slt.u32 s14, $0x390;
	p1 =	seq.s32 s16, $0x380;
	s22 =	simm.s32 $0x1  }
0x201: {  	s22 =	simm.s32 @!p2 $0x0;
	v3 =	vpsel p1, v2, v3  }
0x202: {  	s22 =	ssub.s32 s21, s22;
	[tilespmem:s15+$0x180] =	vst v3  }
0x203: {  	v3 =	vld [tilespmem:s22+$0x390];
	_ =	sdelay $0x3  }
0x204: {  	p2 =	slt.u32 s14, $0x3A0;
	p1 =	seq.s32 s16, $0x390;
	s22 =	simm.s32 $0x1  }
0x205: {  	s22 =	simm.s32 @!p2 $0x0;
	v3 =	vpsel p1, v2, v3  }
0x206: {  	s22 =	ssub.s32 s21, s22;
	[tilespmem:s15+$0x190] =	vst v3  }
0x207: {  	v3 =	vld [tilespmem:s22+$0x3A0];
	_ =	sdelay $0x3  }
0x208: {  	p2 =	slt.u32 s14, $0x3B0;
	p1 =	seq.s32 s16, $0x3A0;
	s22 =	simm.s32 $0x1  }
0x209: {  	s22 =	simm.s32 @!p2 $0x0;
	v3 =	vpsel p1, v2, v3  }
0x20a: {  	s22 =	ssub.s32 s21, s22;
	[tilespmem:s15+$0x1A0] =	vst v3  }
0x20b: {  	v3 =	vld [tilespmem:s22+$0x3B0];
	_ =	sdelay $0x3  }
0x20c: {  	p2 =	slt.u32 s14, $0x3C0;
	p1 =	seq.s32 s16, $0x3B0;
	s22 =	simm.s32 $0x1  }
0x20d: {  	s22 =	simm.s32 @!p2 $0x0;
	v3 =	vpsel p1, v2, v3  }
0x20e: {  	s22 =	ssub.s32 s21, s22;
	[tilespmem:s15+$0x1B0] =	vst v3  }
0x20f: {  	v3 =	vld [tilespmem:s22+$0x3C0];
	_ =	sdelay $0x3  }
0x210: {  	p2 =	slt.u32 s14, $0x3D0;
	p1 =	seq.s32 s16, $0x3C0;
	s22 =	simm.s32 $0x1  }
0x211: {  	s22 =	simm.s32 @!p2 $0x0;
	v3 =	vpsel p1, v2, v3  }
0x212: {  	s22 =	ssub.s32 s21, s22;
	[tilespmem:s15+$0x1C0] =	vst v3  }
0x213: {  	v3 =	vld [tilespmem:s22+$0x3D0];
	_ =	sdelay $0x3  }
0x214: {  	p2 =	slt.u32 s14, $0x3E0;
	p1 =	seq.s32 s16, $0x3D0;
	s22 =	simm.s32 $0x1  }
0x215: {  	s22 =	simm.s32 @!p2 $0x0;
	v3 =	vpsel p1, v2, v3  }
0x216: {  	s21 =	ssub.s32 s21, s22;
	[tilespmem:s15+$0x1D0] =	vst v3  }
0x217: {  	v3 =	vld [tilespmem:s21+$0x3E0]  }
.Ltmp0:
0x218: {  	(pc) =	sbr.rel @p0 .LBB2_3-.Ltmp0, $3  }
0x219: {  	_ =	sdelay $0x1  }
0x21a: {  	s14 =	sadd.s32 $0x1, s14;
	p1 =	seq.s32 s16, $0x3E0  }
0x21b: {  	s19 =	sadd.s32 $0xFFC, s19;
	s16 =	sand.u32 $0x3F0, s14;
	v3 =	vpsel p1, v2, v3  }
0x21c: {  	v4 =	vor.u32 s16, v0;
	[tilespmem:s15+$0x1E0] =	vst v3  }
0x21d: {  	s13 =	sadd.s32 $0x3FF, s13;
	vm0 =	vgt.u32 v4, s14;
	v3 =	vld [tilespmem:s20+$0x3F0]  }
0x21e: {  	v5 =	vadd.s32 s13, v4;
	v6 =	vsel vm0, $0xFFFFFFFF, v1  }
0x21f: {  	v5 =	vadd.s32 v6, v5;
	_ =	sdelay $0x1  }
0x220: {  	p0 =	sgt.u32 s18, $0x3EF  }
0x221: {  	v2 =	vpsel p0, v2, v3  }
0x222: {  	[tilespmem:s15+$0x1F0] =	vst v2  }
0x223: {  	s29 =	sshra.s32 s17, $0x2;
	v2 =	vld.idx.msk [tilespmem:v5+s3+$0x0], $0xffff  }
0x224: {  	v3 =	vld [tilespmem:s29+$0x0];
	_ =	sdelay $0x2  }
0x225: {  	vm15 =	veq.s32 v4, s14  }
0x226: {  	s17 =	simm.s32 $0x1;
	p0 =	slt.u32 s14, $0x10;
	v2 =	vsel vm15, $0x0, v2  }
0x227: {  	s30 =	sadd.s32 $0x400, s15;
	s17 =	simm.s32 @!p0 $0x0;
	v3 =	vpsel p0, v2, v3  }
0x228: {  	s17 =	ssub.s32 s29, s17;
	[tilespmem:s30+$0xFFFFFE00] =	vst v3  }
0x229: {  	v3 =	vld [tilespmem:s17+$0x10];
	_ =	sdelay $0x3  }
0x22a: {  	p4 =	seq.s32 s16, $0x10;
	p1 =	slt.u32 s14, $0x20;
	s17 =	simm.s32 $0x1  }
0x22b: {  	s17 =	simm.s32 @!p1 $0x0;
	v3 =	vpsel p4, v2, v3  }
0x22c: {  	s17 =	ssub.s32 s29, s17;
	[tilespmem:s30+$0xFFFFFE10] =	vst v3  }
0x22d: {  	v3 =	vld [tilespmem:s17+$0x20];
	_ =	sdelay $0x3  }
0x22e: {  	p5 =	seq.s32 s16, $0x20;
	p1 =	slt.u32 s14, $0x30;
	s17 =	simm.s32 $0x1  }
0x22f: {  	s17 =	simm.s32 @!p1 $0x0;
	v3 =	vpsel p5, v2, v3  }
0x230: {  	s17 =	ssub.s32 s29, s17;
	[tilespmem:s30+$0xFFFFFE20] =	vst v3  }
0x231: {  	v3 =	vld [tilespmem:s17+$0x30];
	_ =	sdelay $0x3  }
0x232: {  	p6 =	seq.s32 s16, $0x30;
	p1 =	slt.u32 s14, $0x40;
	s17 =	simm.s32 $0x1  }
0x233: {  	s17 =	simm.s32 @!p1 $0x0;
	v3 =	vpsel p6, v2, v3  }
0x234: {  	s17 =	ssub.s32 s29, s17;
	[tilespmem:s30+$0xFFFFFE30] =	vst v3  }
0x235: {  	v3 =	vld [tilespmem:s17+$0x40];
	_ =	sdelay $0x3  }
0x236: {  	p2 =	seq.s32 s16, $0x40;
	p1 =	slt.u32 s14, $0x50;
	s17 =	simm.s32 $0x1  }
0x237: {  	s17 =	simm.s32 @!p1 $0x0;
	v3 =	vpsel p2, v2, v3  }
0x238: {  	s17 =	ssub.s32 s29, s17;
	[tilespmem:s30+$0xFFFFFE40] =	vst v3  }
0x239: {  	v3 =	vld [tilespmem:s17+$0x50];
	_ =	sdelay $0x3  }
0x23a: {  	p3 =	seq.s32 s16, $0x50;
	p1 =	slt.u32 s14, $0x60;
	s17 =	simm.s32 $0x1  }
0x23b: {  	s17 =	simm.s32 @!p1 $0x0;
	v3 =	vpsel p3, v2, v3  }
0x23c: {  	s17 =	ssub.s32 s29, s17;
	[tilespmem:s30+$0xFFFFFE50] =	vst v3  }
0x23d: {  	v3 =	vld [tilespmem:s17+$0x60];
	_ =	sdelay $0x3  }
0x23e: {  	p4 =	seq.s32 s16, $0x60;
	p1 =	slt.u32 s14, $0x70;
	s17 =	simm.s32 $0x1  }
0x23f: {  	s17 =	simm.s32 @!p1 $0x0;
	v3 =	vpsel p4, v2, v3  }
0x240: {  	s17 =	ssub.s32 s29, s17;
	[tilespmem:s30+$0xFFFFFE60] =	vst v3  }
0x241: {  	v3 =	vld [tilespmem:s17+$0x70];
	_ =	sdelay $0x3  }
0x242: {  	p5 =	seq.s32 s16, $0x70;
	p1 =	slt.u32 s14, $0x80;
	s17 =	simm.s32 $0x1  }
0x243: {  	s17 =	simm.s32 @!p1 $0x0;
	v3 =	vpsel p5, v2, v3  }
0x244: {  	s17 =	ssub.s32 s29, s17;
	[tilespmem:s30+$0xFFFFFE70] =	vst v3  }
0x245: {  	v3 =	vld [tilespmem:s17+$0x80];
	_ =	sdelay $0x3  }
0x246: {  	p6 =	seq.s32 s16, $0x80;
	p1 =	slt.u32 s14, $0x90;
	s17 =	simm.s32 $0x1  }
0x247: {  	s17 =	simm.s32 @!p1 $0x0;
	v3 =	vpsel p6, v2, v3  }
0x248: {  	s17 =	ssub.s32 s29, s17;
	[tilespmem:s30+$0xFFFFFE80] =	vst v3  }
0x249: {  	v3 =	vld [tilespmem:s17+$0x90];
	_ =	sdelay $0x3  }
0x24a: {  	p2 =	seq.s32 s16, $0x90;
	p1 =	slt.u32 s14, $0xA0;
	s17 =	simm.s32 $0x1  }
0x24b: {  	s17 =	simm.s32 @!p1 $0x0;
	v3 =	vpsel p2, v2, v3  }
0x24c: {  	s17 =	ssub.s32 s29, s17;
	[tilespmem:s30+$0xFFFFFE90] =	vst v3  }
0x24d: {  	v3 =	vld [tilespmem:s17+$0xA0];
	_ =	sdelay $0x3  }
0x24e: {  	p3 =	seq.s32 s16, $0xA0;
	p1 =	slt.u32 s14, $0xB0;
	s17 =	simm.s32 $0x1  }
0x24f: {  	s17 =	simm.s32 @!p1 $0x0;
	v3 =	vpsel p3, v2, v3  }
0x250: {  	s17 =	ssub.s32 s29, s17;
	[tilespmem:s30+$0xFFFFFEA0] =	vst v3  }
0x251: {  	v3 =	vld [tilespmem:s17+$0xB0];
	_ =	sdelay $0x3  }
0x252: {  	p4 =	seq.s32 s16, $0xB0;
	p1 =	slt.u32 s14, $0xC0;
	s17 =	simm.s32 $0x1  }
0x253: {  	s17 =	simm.s32 @!p1 $0x0;
	v3 =	vpsel p4, v2, v3  }
0x254: {  	s17 =	ssub.s32 s29, s17;
	[tilespmem:s30+$0xFFFFFEB0] =	vst v3  }
0x255: {  	v3 =	vld [tilespmem:s17+$0xC0];
	_ =	sdelay $0x3  }
0x256: {  	p5 =	seq.s32 s16, $0xC0;
	p1 =	slt.u32 s14, $0xD0;
	s17 =	simm.s32 $0x1  }
0x257: {  	s17 =	simm.s32 @!p1 $0x0;
	v3 =	vpsel p5, v2, v3  }
0x258: {  	s17 =	ssub.s32 s29, s17;
	[tilespmem:s30+$0xFFFFFEC0] =	vst v3  }
0x259: {  	v3 =	vld [tilespmem:s17+$0xD0];
	_ =	sdelay $0x3  }
0x25a: {  	p6 =	seq.s32 s16, $0xD0;
	p1 =	slt.u32 s14, $0xE0;
	s17 =	simm.s32 $0x1  }
0x25b: {  	s17 =	simm.s32 @!p1 $0x0;
	v3 =	vpsel p6, v2, v3  }
0x25c: {  	s17 =	ssub.s32 s29, s17;
	[tilespmem:s30+$0xFFFFFED0] =	vst v3  }
0x25d: {  	v3 =	vld [tilespmem:s17+$0xE0];
	_ =	sdelay $0x3  }
0x25e: {  	p2 =	seq.s32 s16, $0xE0;
	p1 =	slt.u32 s14, $0xF0;
	s17 =	simm.s32 $0x1  }
0x25f: {  	s17 =	simm.s32 @!p1 $0x0;
	v3 =	vpsel p2, v2, v3  }
0x260: {  	s17 =	ssub.s32 s29, s17;
	[tilespmem:s30+$0xFFFFFEE0] =	vst v3  }
0x261: {  	v3 =	vld [tilespmem:s17+$0xF0];
	_ =	sdelay $0x3  }
0x262: {  	p3 =	seq.s32 s16, $0xF0;
	p1 =	slt.u32 s14, $0x100;
	s17 =	simm.s32 $0x1  }
0x263: {  	s17 =	simm.s32 @!p1 $0x0;
	v3 =	vpsel p3, v2, v3  }
0x264: {  	s17 =	ssub.s32 s29, s17;
	[tilespmem:s30+$0xFFFFFEF0] =	vst v3  }
0x265: {  	v3 =	vld [tilespmem:s17+$0x100];
	_ =	sdelay $0x3  }
0x266: {  	p4 =	seq.s32 s16, $0x100;
	p1 =	slt.u32 s14, $0x110;
	s17 =	simm.s32 $0x1  }
0x267: {  	s17 =	simm.s32 @!p1 $0x0;
	v3 =	vpsel p4, v2, v3  }
0x268: {  	s17 =	ssub.s32 s29, s17;
	[tilespmem:s30+$0xFFFFFF00] =	vst v3  }
0x269: {  	v3 =	vld [tilespmem:s17+$0x110];
	_ =	sdelay $0x3  }
0x26a: {  	p5 =	seq.s32 s16, $0x110;
	p1 =	slt.u32 s14, $0x120;
	s17 =	simm.s32 $0x1  }
0x26b: {  	s17 =	simm.s32 @!p1 $0x0;
	v3 =	vpsel p5, v2, v3  }
0x26c: {  	s17 =	ssub.s32 s29, s17;
	[tilespmem:s30+$0xFFFFFF10] =	vst v3  }
0x26d: {  	v3 =	vld [tilespmem:s17+$0x120];
	_ =	sdelay $0x3  }
0x26e: {  	p6 =	seq.s32 s16, $0x120;
	p1 =	slt.u32 s14, $0x130;
	s17 =	simm.s32 $0x1  }
0x26f: {  	s17 =	simm.s32 @!p1 $0x0;
	v3 =	vpsel p6, v2, v3  }
0x270: {  	s17 =	ssub.s32 s29, s17;
	[tilespmem:s30+$0xFFFFFF20] =	vst v3  }
0x271: {  	v3 =	vld [tilespmem:s17+$0x130];
	_ =	sdelay $0x3  }
0x272: {  	p2 =	seq.s32 s16, $0x130;
	p1 =	slt.u32 s14, $0x140;
	s17 =	simm.s32 $0x1  }
0x273: {  	s17 =	simm.s32 @!p1 $0x0;
	v3 =	vpsel p2, v2, v3  }
0x274: {  	s17 =	ssub.s32 s29, s17;
	[tilespmem:s30+$0xFFFFFF30] =	vst v3  }
0x275: {  	v3 =	vld [tilespmem:s17+$0x140];
	_ =	sdelay $0x3  }
0x276: {  	p3 =	seq.s32 s16, $0x140;
	p1 =	slt.u32 s14, $0x150;
	s17 =	simm.s32 $0x1  }
0x277: {  	s17 =	simm.s32 @!p1 $0x0;
	v3 =	vpsel p3, v2, v3  }
0x278: {  	s17 =	ssub.s32 s29, s17;
	[tilespmem:s30+$0xFFFFFF40] =	vst v3  }
0x279: {  	v3 =	vld [tilespmem:s17+$0x150];
	_ =	sdelay $0x3  }
0x27a: {  	p4 =	seq.s32 s16, $0x150;
	p1 =	slt.u32 s14, $0x160;
	s17 =	simm.s32 $0x1  }
0x27b: {  	s17 =	simm.s32 @!p1 $0x0;
	v3 =	vpsel p4, v2, v3  }
0x27c: {  	s17 =	ssub.s32 s29, s17;
	[tilespmem:s30+$0xFFFFFF50] =	vst v3  }
0x27d: {  	v3 =	vld [tilespmem:s17+$0x160];
	_ =	sdelay $0x3  }
0x27e: {  	p5 =	seq.s32 s16, $0x160;
	p1 =	slt.u32 s14, $0x170;
	s17 =	simm.s32 $0x1  }
0x27f: {  	s17 =	simm.s32 @!p1 $0x0;
	v3 =	vpsel p5, v2, v3  }
0x280: {  	s17 =	ssub.s32 s29, s17;
	[tilespmem:s30+$0xFFFFFF60] =	vst v3  }
0x281: {  	v3 =	vld [tilespmem:s17+$0x170];
	_ =	sdelay $0x3  }
0x282: {  	p6 =	seq.s32 s16, $0x170;
	p1 =	slt.u32 s14, $0x180;
	s17 =	simm.s32 $0x1  }
0x283: {  	s17 =	simm.s32 @!p1 $0x0;
	v3 =	vpsel p6, v2, v3  }
0x284: {  	s17 =	ssub.s32 s29, s17;
	[tilespmem:s30+$0xFFFFFF70] =	vst v3  }
0x285: {  	v3 =	vld [tilespmem:s17+$0x180];
	_ =	sdelay $0x3  }
0x286: {  	p2 =	seq.s32 s16, $0x180;
	p1 =	slt.u32 s14, $0x190;
	s17 =	simm.s32 $0x1  }
0x287: {  	s17 =	simm.s32 @!p1 $0x0;
	v3 =	vpsel p2, v2, v3  }
0x288: {  	s17 =	ssub.s32 s29, s17;
	[tilespmem:s30+$0xFFFFFF80] =	vst v3  }
0x289: {  	v3 =	vld [tilespmem:s17+$0x190];
	_ =	sdelay $0x3  }
0x28a: {  	p3 =	seq.s32 s16, $0x190;
	p1 =	slt.u32 s14, $0x1A0;
	s17 =	simm.s32 $0x1  }
0x28b: {  	s17 =	simm.s32 @!p1 $0x0;
	v3 =	vpsel p3, v2, v3  }
0x28c: {  	s17 =	ssub.s32 s29, s17;
	[tilespmem:s30+$0xFFFFFF90] =	vst v3  }
0x28d: {  	v3 =	vld [tilespmem:s17+$0x1A0];
	_ =	sdelay $0x3  }
0x28e: {  	p4 =	seq.s32 s16, $0x1A0;
	p1 =	slt.u32 s14, $0x1B0;
	s17 =	simm.s32 $0x1  }
0x28f: {  	s17 =	simm.s32 @!p1 $0x0;
	v3 =	vpsel p4, v2, v3  }
0x290: {  	s17 =	ssub.s32 s29, s17;
	[tilespmem:s30+$0xFFFFFFA0] =	vst v3  }
0x291: {  	v3 =	vld [tilespmem:s17+$0x1B0];
	_ =	sdelay $0x3  }
0x292: {  	p5 =	seq.s32 s16, $0x1B0;
	p1 =	slt.u32 s14, $0x1C0;
	s17 =	simm.s32 $0x1  }
0x293: {  	s17 =	simm.s32 @!p1 $0x0;
	v3 =	vpsel p5, v2, v3  }
0x294: {  	s17 =	ssub.s32 s29, s17;
	[tilespmem:s30+$0xFFFFFFB0] =	vst v3  }
0x295: {  	v3 =	vld [tilespmem:s17+$0x1C0];
	_ =	sdelay $0x3  }
0x296: {  	p6 =	seq.s32 s16, $0x1C0;
	p1 =	slt.u32 s14, $0x1D0;
	s17 =	simm.s32 $0x1  }
0x297: {  	s17 =	simm.s32 @!p1 $0x0;
	v3 =	vpsel p6, v2, v3  }
0x298: {  	s17 =	ssub.s32 s29, s17;
	[tilespmem:s30+$0xFFFFFFC0] =	vst v3  }
0x299: {  	v3 =	vld [tilespmem:s17+$0x1D0];
	_ =	sdelay $0x3  }
0x29a: {  	p2 =	seq.s32 s16, $0x1D0;
	p1 =	slt.u32 s14, $0x1E0;
	s17 =	simm.s32 $0x1  }
0x29b: {  	s17 =	simm.s32 @!p1 $0x0;
	v3 =	vpsel p2, v2, v3  }
0x29c: {  	s17 =	ssub.s32 s29, s17;
	[tilespmem:s30+$0xFFFFFFD0] =	vst v3  }
0x29d: {  	v3 =	vld [tilespmem:s17+$0x1E0];
	_ =	sdelay $0x3  }
0x29e: {  	p3 =	seq.s32 s16, $0x1E0;
	p1 =	slt.u32 s14, $0x1F0;
	s17 =	simm.s32 $0x1  }
0x29f: {  	s17 =	simm.s32 @!p1 $0x0;
	v3 =	vpsel p3, v2, v3  }
0x2a0: {  	s17 =	ssub.s32 s29, s17;
	[tilespmem:s30+$0xFFFFFFE0] =	vst v3  }
0x2a1: {  	v3 =	vld [tilespmem:s17+$0x1F0];
	_ =	sdelay $0x3  }
0x2a2: {  	p4 =	seq.s32 s16, $0x1F0;
	p1 =	slt.u32 s14, $0x200;
	s17 =	simm.s32 $0x1  }
0x2a3: {  	s17 =	simm.s32 @!p1 $0x0;
	v3 =	vpsel p4, v2, v3  }
0x2a4: {  	s17 =	ssub.s32 s29, s17;
	[tilespmem:s30+$0xFFFFFFF0] =	vst v3  }
0x2a5: {  	v3 =	vld [tilespmem:s17+$0x200];
	_ =	sdelay $0x3  }
0x2a6: {  	p5 =	seq.s32 s16, $0x200;
	p1 =	slt.u32 s14, $0x210;
	s17 =	simm.s32 $0x1  }
0x2a7: {  	s17 =	simm.s32 @!p1 $0x0;
	v3 =	vpsel p5, v2, v3  }
0x2a8: {  	s17 =	ssub.s32 s29, s17;
	[tilespmem:s30+$0x0] =	vst v3  }
0x2a9: {  	v3 =	vld [tilespmem:s17+$0x210];
	_ =	sdelay $0x3  }
0x2aa: {  	p6 =	seq.s32 s16, $0x210;
	p1 =	slt.u32 s14, $0x220;
	s17 =	simm.s32 $0x1  }
0x2ab: {  	s17 =	simm.s32 @!p1 $0x0;
	v3 =	vpsel p6, v2, v3  }
0x2ac: {  	s17 =	ssub.s32 s29, s17;
	[tilespmem:s30+$0x10] =	vst v3  }
0x2ad: {  	v3 =	vld [tilespmem:s17+$0x220];
	_ =	sdelay $0x3  }
0x2ae: {  	p2 =	seq.s32 s16, $0x220;
	p1 =	slt.u32 s14, $0x230;
	s17 =	simm.s32 $0x1  }
0x2af: {  	s17 =	simm.s32 @!p1 $0x0;
	v3 =	vpsel p2, v2, v3  }
0x2b0: {  	s17 =	ssub.s32 s29, s17;
	[tilespmem:s30+$0x20] =	vst v3  }
0x2b1: {  	v3 =	vld [tilespmem:s17+$0x230];
	_ =	sdelay $0x3  }
0x2b2: {  	p3 =	seq.s32 s16, $0x230;
	p1 =	slt.u32 s14, $0x240;
	s17 =	simm.s32 $0x1  }
0x2b3: {  	s17 =	simm.s32 @!p1 $0x0;
	v3 =	vpsel p3, v2, v3  }
0x2b4: {  	s17 =	ssub.s32 s29, s17;
	[tilespmem:s30+$0x30] =	vst v3  }
0x2b5: {  	v3 =	vld [tilespmem:s17+$0x240];
	_ =	sdelay $0x3  }
0x2b6: {  	p4 =	seq.s32 s16, $0x240;
	p1 =	slt.u32 s14, $0x250;
	s17 =	simm.s32 $0x1  }
0x2b7: {  	s17 =	simm.s32 @!p1 $0x0;
	v3 =	vpsel p4, v2, v3  }
0x2b8: {  	s17 =	ssub.s32 s29, s17;
	[tilespmem:s30+$0x40] =	vst v3  }
0x2b9: {  	v3 =	vld [tilespmem:s17+$0x250];
	_ =	sdelay $0x3  }
0x2ba: {  	p5 =	seq.s32 s16, $0x250;
	p1 =	slt.u32 s14, $0x260;
	s17 =	simm.s32 $0x1  }
0x2bb: {  	s17 =	simm.s32 @!p1 $0x0;
	v3 =	vpsel p5, v2, v3  }
0x2bc: {  	s17 =	ssub.s32 s29, s17;
	[tilespmem:s30+$0x50] =	vst v3  }
0x2bd: {  	v3 =	vld [tilespmem:s17+$0x260];
	_ =	sdelay $0x3  }
0x2be: {  	p6 =	seq.s32 s16, $0x260;
	p1 =	slt.u32 s14, $0x270;
	s17 =	simm.s32 $0x1  }
0x2bf: {  	s17 =	simm.s32 @!p1 $0x0;
	v3 =	vpsel p6, v2, v3  }
0x2c0: {  	s17 =	ssub.s32 s29, s17;
	[tilespmem:s30+$0x60] =	vst v3  }
0x2c1: {  	v3 =	vld [tilespmem:s17+$0x270];
	_ =	sdelay $0x3  }
0x2c2: {  	p2 =	seq.s32 s16, $0x270;
	p1 =	slt.u32 s14, $0x280;
	s17 =	simm.s32 $0x1  }
0x2c3: {  	s17 =	simm.s32 @!p1 $0x0;
	v3 =	vpsel p2, v2, v3  }
0x2c4: {  	s17 =	ssub.s32 s29, s17;
	[tilespmem:s30+$0x70] =	vst v3  }
0x2c5: {  	v3 =	vld [tilespmem:s17+$0x280];
	_ =	sdelay $0x3  }
0x2c6: {  	p3 =	seq.s32 s16, $0x280;
	p1 =	slt.u32 s14, $0x290;
	s17 =	simm.s32 $0x1  }
0x2c7: {  	s17 =	simm.s32 @!p1 $0x0;
	v3 =	vpsel p3, v2, v3  }
0x2c8: {  	s17 =	ssub.s32 s29, s17;
	[tilespmem:s30+$0x80] =	vst v3  }
0x2c9: {  	v3 =	vld [tilespmem:s17+$0x290];
	_ =	sdelay $0x3  }
0x2ca: {  	p4 =	seq.s32 s16, $0x290;
	p1 =	slt.u32 s14, $0x2A0;
	s17 =	simm.s32 $0x1  }
0x2cb: {  	s17 =	simm.s32 @!p1 $0x0;
	v3 =	vpsel p4, v2, v3  }
0x2cc: {  	s17 =	ssub.s32 s29, s17;
	[tilespmem:s30+$0x90] =	vst v3  }
0x2cd: {  	v3 =	vld [tilespmem:s17+$0x2A0];
	_ =	sdelay $0x3  }
0x2ce: {  	p5 =	seq.s32 s16, $0x2A0;
	p1 =	slt.u32 s14, $0x2B0;
	s17 =	simm.s32 $0x1  }
0x2cf: {  	s17 =	simm.s32 @!p1 $0x0;
	v3 =	vpsel p5, v2, v3  }
0x2d0: {  	s17 =	ssub.s32 s29, s17;
	[tilespmem:s30+$0xA0] =	vst v3  }
0x2d1: {  	v3 =	vld [tilespmem:s17+$0x2B0];
	_ =	sdelay $0x3  }
0x2d2: {  	p6 =	seq.s32 s16, $0x2B0;
	p1 =	slt.u32 s14, $0x2C0;
	s17 =	simm.s32 $0x1  }
0x2d3: {  	s17 =	simm.s32 @!p1 $0x0;
	v3 =	vpsel p6, v2, v3  }
0x2d4: {  	s17 =	ssub.s32 s29, s17;
	[tilespmem:s30+$0xB0] =	vst v3  }
0x2d5: {  	v3 =	vld [tilespmem:s17+$0x2C0];
	_ =	sdelay $0x3  }
0x2d6: {  	p2 =	seq.s32 s16, $0x2C0;
	p1 =	slt.u32 s14, $0x2D0;
	s17 =	simm.s32 $0x1  }
0x2d7: {  	s17 =	simm.s32 @!p1 $0x0;
	v3 =	vpsel p2, v2, v3  }
0x2d8: {  	s17 =	ssub.s32 s29, s17;
	[tilespmem:s30+$0xC0] =	vst v3  }
0x2d9: {  	v3 =	vld [tilespmem:s17+$0x2D0];
	_ =	sdelay $0x3  }
0x2da: {  	p3 =	seq.s32 s16, $0x2D0;
	p1 =	slt.u32 s14, $0x2E0;
	s17 =	simm.s32 $0x1  }
0x2db: {  	s17 =	simm.s32 @!p1 $0x0;
	v3 =	vpsel p3, v2, v3  }
0x2dc: {  	s17 =	ssub.s32 s29, s17;
	[tilespmem:s30+$0xD0] =	vst v3  }
0x2dd: {  	v3 =	vld [tilespmem:s17+$0x2E0];
	_ =	sdelay $0x3  }
0x2de: {  	p4 =	seq.s32 s16, $0x2E0;
	p1 =	slt.u32 s14, $0x2F0;
	s17 =	simm.s32 $0x1  }
0x2df: {  	s17 =	simm.s32 @!p1 $0x0;
	v3 =	vpsel p4, v2, v3  }
0x2e0: {  	s17 =	ssub.s32 s29, s17;
	[tilespmem:s30+$0xE0] =	vst v3  }
0x2e1: {  	v3 =	vld [tilespmem:s17+$0x2F0];
	_ =	sdelay $0x3  }
0x2e2: {  	p5 =	seq.s32 s16, $0x2F0;
	p1 =	slt.u32 s14, $0x300;
	s17 =	simm.s32 $0x1  }
0x2e3: {  	s17 =	simm.s32 @!p1 $0x0;
	v3 =	vpsel p5, v2, v3  }
0x2e4: {  	s17 =	ssub.s32 s29, s17;
	[tilespmem:s30+$0xF0] =	vst v3  }
0x2e5: {  	v3 =	vld [tilespmem:s17+$0x300];
	_ =	sdelay $0x3  }
0x2e6: {  	p6 =	seq.s32 s16, $0x300;
	p1 =	slt.u32 s14, $0x310;
	s17 =	simm.s32 $0x1  }
0x2e7: {  	s17 =	simm.s32 @!p1 $0x0;
	v3 =	vpsel p6, v2, v3  }
0x2e8: {  	s17 =	ssub.s32 s29, s17;
	[tilespmem:s30+$0x100] =	vst v3  }
0x2e9: {  	v3 =	vld [tilespmem:s17+$0x310];
	_ =	sdelay $0x3  }
0x2ea: {  	p2 =	seq.s32 s16, $0x310;
	p1 =	slt.u32 s14, $0x320;
	s17 =	simm.s32 $0x1  }
0x2eb: {  	s17 =	simm.s32 @!p1 $0x0;
	v3 =	vpsel p2, v2, v3  }
0x2ec: {  	s17 =	ssub.s32 s29, s17;
	[tilespmem:s30+$0x110] =	vst v3  }
0x2ed: {  	v3 =	vld [tilespmem:s17+$0x320];
	_ =	sdelay $0x3  }
0x2ee: {  	p3 =	seq.s32 s16, $0x320;
	p1 =	slt.u32 s14, $0x330;
	s17 =	simm.s32 $0x1  }
0x2ef: {  	s17 =	simm.s32 @!p1 $0x0;
	v3 =	vpsel p3, v2, v3  }
0x2f0: {  	s17 =	ssub.s32 s29, s17;
	[tilespmem:s30+$0x120] =	vst v3  }
0x2f1: {  	v3 =	vld [tilespmem:s17+$0x330];
	_ =	sdelay $0x3  }
0x2f2: {  	p4 =	seq.s32 s16, $0x330;
	p1 =	slt.u32 s14, $0x340;
	s17 =	simm.s32 $0x1  }
0x2f3: {  	s17 =	simm.s32 @!p1 $0x0;
	v3 =	vpsel p4, v2, v3  }
0x2f4: {  	s17 =	ssub.s32 s29, s17;
	[tilespmem:s30+$0x130] =	vst v3  }
0x2f5: {  	v3 =	vld [tilespmem:s17+$0x340];
	_ =	sdelay $0x3  }
0x2f6: {  	p5 =	seq.s32 s16, $0x340;
	p1 =	slt.u32 s14, $0x350;
	s17 =	simm.s32 $0x1  }
0x2f7: {  	s17 =	simm.s32 @!p1 $0x0;
	v3 =	vpsel p5, v2, v3  }
0x2f8: {  	s17 =	ssub.s32 s29, s17;
	[tilespmem:s30+$0x140] =	vst v3  }
0x2f9: {  	v3 =	vld [tilespmem:s17+$0x350];
	_ =	sdelay $0x3  }
0x2fa: {  	p6 =	seq.s32 s16, $0x350;
	p1 =	slt.u32 s14, $0x360;
	s17 =	simm.s32 $0x1  }
0x2fb: {  	s17 =	simm.s32 @!p1 $0x0;
	v3 =	vpsel p6, v2, v3  }
0x2fc: {  	s17 =	ssub.s32 s29, s17;
	[tilespmem:s30+$0x150] =	vst v3  }
0x2fd: {  	v3 =	vld [tilespmem:s17+$0x360];
	_ =	sdelay $0x3  }
0x2fe: {  	p2 =	seq.s32 s16, $0x360;
	p1 =	slt.u32 s14, $0x370;
	s17 =	simm.s32 $0x1  }
0x2ff: {  	s17 =	simm.s32 @!p1 $0x0;
	v3 =	vpsel p2, v2, v3  }
0x300: {  	s17 =	ssub.s32 s29, s17;
	[tilespmem:s30+$0x160] =	vst v3  }
0x301: {  	v3 =	vld [tilespmem:s17+$0x370];
	_ =	sdelay $0x3  }
0x302: {  	p3 =	seq.s32 s16, $0x370;
	p1 =	slt.u32 s14, $0x380;
	s17 =	simm.s32 $0x1  }
0x303: {  	s17 =	simm.s32 @!p1 $0x0;
	v3 =	vpsel p3, v2, v3  }
0x304: {  	s17 =	ssub.s32 s29, s17;
	[tilespmem:s30+$0x170] =	vst v3  }
0x305: {  	v3 =	vld [tilespmem:s17+$0x380];
	_ =	sdelay $0x3  }
0x306: {  	p4 =	seq.s32 s16, $0x380;
	p1 =	slt.u32 s14, $0x390;
	s17 =	simm.s32 $0x1  }
0x307: {  	s17 =	simm.s32 @!p1 $0x0;
	v3 =	vpsel p4, v2, v3  }
0x308: {  	s17 =	ssub.s32 s29, s17;
	[tilespmem:s30+$0x180] =	vst v3  }
0x309: {  	v3 =	vld [tilespmem:s17+$0x390];
	_ =	sdelay $0x3  }
0x30a: {  	p5 =	seq.s32 s16, $0x390;
	p1 =	slt.u32 s14, $0x3A0;
	s17 =	simm.s32 $0x1  }
0x30b: {  	s17 =	simm.s32 @!p1 $0x0;
	v3 =	vpsel p5, v2, v3  }
0x30c: {  	s17 =	ssub.s32 s29, s17;
	[tilespmem:s30+$0x190] =	vst v3  }
0x30d: {  	v3 =	vld [tilespmem:s17+$0x3A0];
	_ =	sdelay $0x3  }
0x30e: {  	p6 =	seq.s32 s16, $0x3A0;
	p1 =	slt.u32 s14, $0x3B0;
	s17 =	simm.s32 $0x1  }
0x30f: {  	s17 =	simm.s32 @!p1 $0x0;
	v3 =	vpsel p6, v2, v3  }
0x310: {  	s17 =	ssub.s32 s29, s17;
	[tilespmem:s30+$0x1A0] =	vst v3  }
0x311: {  	v3 =	vld [tilespmem:s17+$0x3B0];
	_ =	sdelay $0x3  }
0x312: {  	p2 =	seq.s32 s16, $0x3B0;
	p1 =	slt.u32 s14, $0x3C0;
	s17 =	simm.s32 $0x1  }
0x313: {  	s17 =	simm.s32 @!p1 $0x0;
	v3 =	vpsel p2, v2, v3  }
0x314: {  	s17 =	ssub.s32 s29, s17;
	[tilespmem:s30+$0x1B0] =	vst v3  }
0x315: {  	v3 =	vld [tilespmem:s17+$0x3C0];
	_ =	sdelay $0x3  }
0x316: {  	p3 =	seq.s32 s16, $0x3C0;
	p1 =	slt.u32 s14, $0x3D0;
	s17 =	simm.s32 $0x1  }
0x317: {  	s17 =	simm.s32 @!p1 $0x0;
	v3 =	vpsel p3, v2, v3  }
0x318: {  	s17 =	ssub.s32 s29, s17;
	[tilespmem:s30+$0x1C0] =	vst v3  }
0x319: {  	v3 =	vld [tilespmem:s17+$0x3D0];
	_ =	sdelay $0x3  }
0x31a: {  	p4 =	seq.s32 s16, $0x3D0;
	p1 =	slt.u32 s14, $0x3E0;
	s17 =	simm.s32 $0x1  }
0x31b: {  	s17 =	simm.s32 @!p1 $0x0;
	v3 =	vpsel p4, v2, v3  }
0x31c: {  	s17 =	ssub.s32 s29, s17;
	[tilespmem:s30+$0x1D0] =	vst v3  }
0x31d: {  	v3 =	vld [tilespmem:s17+$0x3E0];
	_ =	sdelay $0x3  }
0x31e: {  	p0 =	slt.u32 s14, $0x3F0;
	p5 =	seq.s32 s16, $0x3E0;
	s17 =	simm.s32 $0x1  }
0x31f: {  	s17 =	simm.s32 @!p0 $0x0;
	v3 =	vpsel p5, v2, v3  }
0x320: {  	s13 =	ssub.s32 s29, s17;
	[tilespmem:s30+$0x1E0] =	vst v3  }
0x321: {  	v3 =	vld [tilespmem:s13+$0x3F0];
	_ =	sdelay $0x3  }
0x322: {  	s31 =	sshll.u32 s12, $0x11;
	s12 =	sadd.s32 $0x1, s12;
	p6 =	sgt.u32 s14, $0x3EF  }
0x323: {  	p0 =	sne.s32 s12, $0x20;
	v2 =	vpsel p6, v2, v3  }
.Ltmp1:
0x324: {  	s13 =	sadd.s32 s31, s5;
	[tilespmem:s30+$0x1F0] =	vst v2;
	(pc) =	sbr.rel @p0 .LBB2_2-.Ltmp1, $4  }
0x325: {  	[hbm4b:s13+s3] =	stream.linear.scatter [tilespmem:s9], [sflag:$0x2], $0x8000, $0x38;
	[tilespmem:$0x10000] =	vst v63  }
0x326: {  	_ =	swait.ge [sflag:s10], $0x8000  }
0x327: {  	[sflag:s10] =	ssyncset.done $0x0  }
0x328: {  	[sflag:s10] =	ssyncadd.s32 $0xFFFF8000  }
0x329: {  	s11 =	sadd.s32 $0x1, s11  }
0x32a: {  	p0 =	sne.s32 s11, s6  }
.Ltmp2:
0x32b: {  	_ = 	snop;
	(pc) =	sbr.rel @p0 .LBB2_1-.Ltmp2, $1  }
0x32c: {  	_ =	sdelay $0x3  }
0x32d: {  	_ =	sfence.sel $0x180000  }
0x32e: {  	[bflag:$0x0] =	sbarrier.arrive $0xFFFF  }
0x32f: {  	p0 =	sne.s32 s1, $0x0;
	_ =	strace $0x9000004A  }
0x330: {  	s0 =	sadd.s32 @!p0 $0x100000, s0;
	[bflag:$0x2] =	sbarrier.arrive $0xFFFF  }
0x331: {  	[sflag:s0] =	ssyncadd.tile.s32 @!p0 $0x1;
	_ =	shalt  }
.Lfunc_end2:
_tile_overlayer_lowered:
.L_overlay_start_2:
0x332: {  	(tag) =	ssettag $0x2  }
0x333: {  	s0 =	rddreg [dreg:$0x0];
	s2 =	stileid.u32  }
0x334: {  	s1 =	rddreg [dreg:$0x1];
	p0 =	sne.s32 s2, $0x0  }
0x335: {  	s3 =	rddreg [dreg:$0x2];
	[bflag:$0x3] =	sbarrier.arrive $0xFFFF;
	s2 =	simm.s32 @!p0 $0x1C03  }
0x336: {  	[timem:s3], [sflag:s2] =	dma.local @!p0 [hbm:s0], s1  }
0x337: {  	s0 =	simm.s32 @!p0 $0x3  }
0x338: {  	_ =	swait.ge @!p0 [sflag:s0], s1  }
0x339: {  	s1 =	ssub.s32 @!p0 $0x0, s1;
	[sflag:s0] =	ssyncset.done @!p0 $0x0  }
0x33a: {  	[sflag:s0] =	ssyncadd.s32 @!p0 s1  }
0x33b: {  	[bflag:$0x3] =	sbarrier.arrive $0xFFFF  }
0x33c: {  	_ =	shalt  }

// kernel: sparse-core-data-format-call.cloned.1.call-start
scs
called_computation_lowered:
.L_overlay_start_0:
0x0: {  	s2 =	sld [smem:$0x3FD9]  }
0x1: {  	s3 =	sld [smem:$0x3FFE];
	_ =	sdelay $0x1  }
0x2: {  	s1 =	srdreg.scid  }
0x3: {  	s0 =	sand.u32 $0x1, s1  }
0x4: {  	s19 =	sshll.u32 s0, $0xA;
	s2 =	sadd.s32 s3, s2  }
0x5: {  	s2 =	sadd.s32 s2, s19  }
0x6: {  	[smem:$0x3FC7] =	sst s2  }
0x7: {  	_ = 	snop  }
0x8: {  	s2 =	sld [smem:$0x3FC9]  }
0x9: {  	s20 =	sld [smem:$0x3FD0];
	(tm) =	ssettm $0x1  }
0xa: {  	s4 =	sld [smem:$0x3FFB];
	_ =	sdelay $0x3  }
0xb: {  	_ =	strace s4  }
0xc: {  	s4 =	sld [smem:$0x3FFC];
	_ =	sdelay $0x3  }
0xd: {  	_ =	strace s4  }
0xe: {  	s4 =	sld [smem:$0x3FFD];
	_ =	sdelay $0x3  }
0xf: {  	_ =	strace s4  }
0x10: {  	_ =	strace $0x8FFFFFFF  }
0x11: {  	s21 =	sld [smem:$0x3FDB];
	_ =	sdelay $0x1  }
0x12: {  	s5 =	simm.s32 $_scs_section_size  }
0x13: {  	s6 =	simm.s32 $_size__tile_overlayer_lowered;
	s7 =	simm.s32 $_tile_overlayer_lowered  }
0x14: {  	s24 =	simm.s32 $0x1BFF;
	s23 =	sshll.u32 s7, $0x1;
	s4 =	sadd.s32 s5, s21  }
0x15: {  	s8 =	simm.s32 $0x0;
	s22 =	sshll.u32 s6, $0x1;
	s6 =	sadd.s32 s23, s4  }
0x16: {  	[timem:s8], [sflag:s24] =	dma.local [hbm:s6], s22  }
0x17: {  	_ =	swait.ge [sflag:s24], s22  }
0x18: {  	s5 =	ssub.s32 $0x0, s22;
	[sflag:s24] =	ssyncset.done $0x0  }
0x19: {  	[sflag:s24] =	ssyncadd.s32 s5;
	_ =	sdelay $0x1  }
0x1a: {  	s25 =	simm.s32 $0x1B8B  }
0x1b: {  	_ =	swait.ge [sflag:s25], $0x1  }
0x1c: {  	[sflag:s25] =	ssyncset.done $0x0  }
0x1d: {  	s26 =	simm.s32 $0x1B8E;
	[sflag:s25] =	ssyncadd.s32 $0xFFFFFFFF  }
0x1e: {  	s27 =	simm.s32 $execute0_lowered;
	[smem:$0x3FD2] =	sst s26  }
0x1f: {  	s5 =	sshll.u32 s27, $0x1;
	_ =	strace $0x80000046;
	[dreg:$0x1] =	wrdreg $0xFFFFFFFF  }
0x20: {  	s28 =	simm.s32 $_size_execute0_lowered;
	s4 =	sadd.s32 s4, s5;
	[dreg:$0x0] =	wrdreg $0x0  }
0x21: {  	s5 =	sshll.u32 s28, $0x1;
	[dreg:$0x2] =	wrdreg s4  }
0x22: {  	[dreg:$0x3] =	wrdreg s5  }
0x23: {  	[dreg:$0x4] =	wrdreg $0xC0  }
0x24: {  	_ =	task [dreg:s8], $0x5FFFF  }
0x25: {  	[dreg:$0x1] =	wrdreg $0xFFFFFFFF  }
0x26: {  	[dreg:$0x0] =	wrdreg $0x60  }
0x27: {  	[dreg:$0x2] =	wrdreg s2  }
0x28: {  	[dreg:$0x3] =	wrdreg s20  }
0x29: {  	[dreg:$0x4] =	wrdreg $0x9  }
0x2a: {  	_ =	task.clear_ibuf [dreg:s8], $0x5FFFF;
	_ =	strace $0x90000046  }
0x2b: {  	s29 =	simm.s32 $0x9;
	_ =	strace $0x80000048  }
0x2c: {  	_ =	swait.ge [sflag:s29], $0x1  }
0x2d: {  	[sflag:s29] =	ssyncadd.s32 $0xFFFFFFFF  }
0x2e: {  	_ =	strace $0x90000048  }
0x2f: {  	_ =	sfence  }
0x30: {  	s30 =	sld [smem:$0x0];
	_ =	sdelay $0x2  }
0x31: {  	s31 =	sshll.u32 s1, $0xD;
	s1 =	sshrl.u32 s1, $0x2  }
0x32: {  	s3 =	sand.u32 $0x4000, s31;
	s1 =	sadd.s32 s1, s30  }
0x33: {  	s0 =	sor.u32 s3, s0;
	s1 =	sshll.u32 s1, $0x11  }
0x34: {  	s0 =	sor.u32 s1, s0  }
0x35: {  	s0 =	sadd.s32 $0x8F2B, s0  }
0x36: {  	[sflag:s0] =	ssyncadd.remote.s32 $0x1  }
0x37: {  	_ =	sfence.sel $0xFFFF  }
0x38: {  	[dreg:$0x0] =	wrdreg $0xFFFFFFFF;
	(pc) =	sbr.abs _section_cstart, $3  }
0x39: {  	[dreg:$0x1] =	wrdreg $0xFFFFFFFF  }
0x3a: {  	_ =	task.clear_ibuf [dreg:s8], $0x2FFFF;
	_ =	strace $0x9FFFFFFF  }
0x3b: {  	(tm) =	ssettm $0x7FFFFFFF  }
tec
execute0_lowered:
.L_overlay_start_1:
0x0: {  	(tag) =	ssettag $0x1  }
0x1: {  	s0 =	stileid.u32;
	s1 =	rddreg [dreg:$0x0]  }
0x2: {  	s3 =	srdreg.scid;
	s4 =	rddreg [dreg:$0x1];
	s8 =	simm.s32 $0x3F  }
0x3: {  	s31 =	simm.s32 $0x2;
	s15 =	simm.s32 $0x0;
	s9 =	simm.s32 $0x400  }
0x4: {  	s10 =	simm.s32 $0xFFC00;
	s11 =	simm.s32 $0x0;
	s2 =	sshll.u32 s0, $0x1  }
0x5: {  	s5 =	sshll.u32 s0, $0x2;
	s3 =	sshll.u32 s3, $0x6;
	s2 =	sand.u32 $0x2, s2  }
0x6: {  	s16 =	simm.s32 $0x0;
	s3 =	sor.u32 s5, s3;
	s6 =	ssub.s32 $0x4, s2  }
0x7: {  	s5 =	sand.u32 $0x78, s3;
	s7 =	sshrl.u32 s6, $0x2;
	s30 =	sshrl.u32 s6, $0x1  }
.Ltmp0:
0x8: {  	p0 =	seq.s32 s5, $0x78;
	s6 =	sand.u32 $0x1, s30;
	(pc) =	sbr.rel .LBB1_1-.Ltmp0, $4  }
0x9: {  	s3 =	rddreg [dreg:$0x2];
	s8 =	simm.s32 @!p0 $0x40;
	s7 =	sadd.s32 s7, s6  }
0xa: {  	_ =	strace $0x80000047;
	s6 =	simm.s32 $0x1;
	s7 =	smul.u32 s7, s8  }
0xb: {  	s14 =	simm.s32 $0x0;
	s13 =	smov.u32 s2;
	[sflag:s6] =	ssyncpa.u1 $0x0  }
0xc: {  	s12 =	smov.u32 s5;
	[sflag:s31] =	ssyncpa.u1 $0x0;
	s8 =	sadd.s32 $0x1, s7  }
.LBB1_9:
0xd: {  	s17 =	sadd.s32 $0x80, s12  }
0xe: {  	s15 =	sadd.s32 $0x4, s13;
	s19 =	smov.u32 s13;
	p1 =	sgt.s32 s17, $0x1FF7  }
0xf: {  	s19 =	smov.u32 @p1 s15  }
0x10: {  	s17 =	smov.u32 @p1 s5;
	p1 =	sgt.s32 s19, $0x3  }
0x11: {  	s19 =	smov.u32 @p1 s2;
	p1 =	sne.s32 s14, s8  }
.Ltmp1:
0x12: {  	p0 =	slt.u32 s14, $0x2;
	(pc) =	sbr.rel @!p1 .LBB1_10-.Ltmp1, $4  }
0x13: {  	s18 =	simm.s32 @!p0 $0x2  }
0x14: {  	s16 =	smov.u32 s13;
	s11 =	sadd.s32 $0x4000, s11;
	_ =	swait.ge @!p0 [sflag:s18], $0x4000  }
0x15: {  	s15 =	smov.u32 s12;
	[sflag:s18] =	ssyncset.done @!p0 $0x0;
	s12 =	smov.u32 s17  }
0x16: {  	s14 =	sadd.s32 $0x1, s14;
	[sflag:s18] =	ssyncadd.s32 @!p0 $0xFFFFC000;
	s13 =	smov.u32 s19  }
.LBB1_1:
0x17: {  	p0 =	sge.u32 s14, s7  }
0x18: {  	s18 =	smul.u32 @!p0 $0xFFC00, s13  }
0x19: {  	s31 =	sadd.s32 $0xFFFFFFFF, s14;
	s17 =	sxor.u32 @!p0 $0xFFFFFFFF, s14;
	s19 =	sshll.u32 @!p0 s12, $0x7  }
0x1a: {  	s20 =	simm.s32 @!p0 $0x7FE000;
	s17 =	sshll.u32 @!p0 s17, $0xE;
	s18 =	sadd.s32 @!p0 s1, s18  }
0x1b: {  	s17 =	sand.u32 @!p0 $0x4000, s17;
	s18 =	sadd.s32 @!p0 s19, s18;
	s19 =	simm.s32 @!p0 $0x2000  }
0x1c: {  	[tilespmem:s17], [sflag:$0x1] =	stream.strided.gather @!p0 [hbm4b:s18+s19], $0x4000, s20, s19, $0x38;
	[tilespmem:$0x10000] =	vst v63  }
0x1d: {  	p0 =	sge.u32 s31, s7  }
.Ltmp2:
0x1e: {  	_ = 	snop;
	(pc) =	sbr.rel @p0 .LBB1_9-.Ltmp2, $1  }
0x1f: {  	_ =	sdelay $0x3  }
0x20: {  	s17 =	sshll.u32 s11, $0x2  }
0x21: {  	_ =	swait.ge [sflag:s6], $0x4000;
	s18 =	sshll.u32 s14, $0xE;
	s20 =	simm.s32 $0x0  }
0x22: {  	p1 =	por $0x1, $0x1;
	s17 =	sand.u32 $0x10000, s17;
	[sflag:s6] =	ssyncset.done $0x0  }
0x23: {  	s18 =	sand.u32 $0x4000, s18;
	s19 =	sshrl.u32 s17, $0x2;
	[sflag:s6] =	ssyncadd.s32 $0xFFFFC000  }
0x24: {  	s17 =	sor.u32 $0x8000, s18;
	s18 =	sadd.s32 $0x8040, s19;
	s19 =	sadd.s32 $0x40, s19  }
.LBB1_3:
0x25: {  	s20 =	sshll.u32 s20, $0x2  }
0x26: {  	p0 =	por p1, p1;
	s21 =	sshra.s32 s20, $0x2  }
0x27: {  	s22 =	simm.s32 $0x0;
	s20 =	sadd.s32 s21, s18;
	s21 =	sadd.s32 s21, s19  }
.LBB1_4:
0x28: {  	v0 =	vmov s21;
	_ =	sdelay $0x3  }
0x29: {  	s24 =	simm.s32 $0x0  }
0x2a: {  	v6 =	vld.idx.msk [tilespmem:v0+s24+$0x30 ss:$0x1], $0xffff  }
0x2b: {  	v7 =	vld.idx.msk [tilespmem:v0+s24+$0xFFFFFFC0 ss:$0x1], $0xffff  }
0x2c: {  	v5 =	vld.idx.msk [tilespmem:v0+s24+$0xFFFFFFD0 ss:$0x1], $0xffff  }
0x2d: {  	v4 =	vld.idx.msk [tilespmem:v0+s24+$0xFFFFFFE0 ss:$0x1], $0xffff  }
0x2e: {  	v3 =	vld.idx.msk [tilespmem:v0+s24+$0xFFFFFFF0 ss:$0x1], $0xffff  }
0x2f: {  	v1 =	vld.idx.msk [tilespmem:v0+s24+$0x0 ss:$0x1], $0xffff  }
0x30: {  	v2 =	vld.idx.msk [tilespmem:v0+s24+$0x10 ss:$0x1], $0xffff;
	[tilespmem:s20+$0x30] =	vst v6  }
0x31: {  	s23 =	simm.s32 $0x80;
	s25 =	simm.s32 $0x400;
	[tilespmem:s20+$0xFFFFFFC0] =	vst v7;
	v6 =	vld.idx.msk [tilespmem:v0+s24+$0x20 ss:$0x1], $0xffff;
	s24 =	smov.u32 s20  }
.LBB1_5:
0x32: {  	p1 =	sne.s32 s25, $0xE00;
	v7 =	vld.idx.msk [tilespmem:v0+s23+$0x30 ss:$0x1], $0xffff;
	[tilespmem:s24+$0xFFFFFFD0] =	vst v5  }
0x33: {  	v8 =	vld.idx.msk [tilespmem:v0+s23+$0xFFFFFFC0 ss:$0x1], $0xffff;
	[tilespmem:s24+$0xFFFFFFE0] =	vst v4  }
0x34: {  	v5 =	vld.idx.msk [tilespmem:v0+s23+$0xFFFFFFD0 ss:$0x1], $0xffff;
	[tilespmem:s24+$0xFFFFFFF0] =	vst v3  }
.Ltmp3:
0x35: {  	v4 =	vld.idx.msk [tilespmem:v0+s23+$0xFFFFFFE0 ss:$0x1], $0xffff;
	[tilespmem:s24+$0x0] =	vst v1;
	(pc) =	sbr.rel @p1 .LBB1_5-.Ltmp3, $4  }
0x36: {  	v3 =	vld.idx.msk [tilespmem:v0+s23+$0xFFFFFFF0 ss:$0x1], $0xffff;
	[tilespmem:s24+$0x10] =	vst v2  }
0x37: {  	v1 =	vld.idx.msk [tilespmem:v0+s23+$0x0 ss:$0x1], $0xffff;
	[tilespmem:s24+$0x20] =	vst v6;
	s24 =	sadd.s32 $0x400, s24  }
0x38: {  	v2 =	vld.idx.msk [tilespmem:v0+s23+$0x10 ss:$0x1], $0xffff;
	[tilespmem:s24+$0x30] =	vst v7  }
0x39: {  	[tilespmem:s24+$0xFFFFFFC0] =	vst v8;
	v6 =	vld.idx.msk [tilespmem:v0+s23+$0x20 ss:$0x1], $0xffff;
	s23 =	sshra.s32 s25, $0x2;
	s25 =	sadd.s32 $0x200, s25  }
0x3a: {  	_ =	sdelay $0x2  }
0x3b: {  	[tilespmem:s24+$0xFFFFFFD0] =	vst v5  }
0x3c: {  	v56 =	vld.idx.msk [tilespmem:v0+s23+$0x30 ss:$0x1], $0xffff;
	[tilespmem:s24+$0xFFFFFFE0] =	vst v4  }
0x3d: {  	v57 =	vld.idx.msk [tilespmem:v0+s23+$0xFFFFFFC0 ss:$0x1], $0xffff;
	[tilespmem:s24+$0xFFFFFFF0] =	vst v3  }
0x3e: {  	v58 =	vld.idx.msk [tilespmem:v0+s23+$0xFFFFFFD0 ss:$0x1], $0xffff;
	[tilespmem:s24+$0x0] =	vst v1  }
0x3f: {  	v59 =	vld.idx.msk [tilespmem:v0+s23+$0xFFFFFFE0 ss:$0x1], $0xffff;
	[tilespmem:s24+$0x10] =	vst v2  }
0x40: {  	v60 =	vld.idx.msk [tilespmem:v0+s23+$0xFFFFFFF0 ss:$0x1], $0xffff;
	s31 =	sadd.s32 $0x400, s24;
	[tilespmem:s24+$0x20] =	vst v6  }
0x41: {  	v61 =	vld.idx.msk [tilespmem:v0+s23+$0x0 ss:$0x1], $0xffff;
	[tilespmem:s31+$0x30] =	vst v56  }
0x42: {  	v62 =	vld.idx.msk [tilespmem:v0+s23+$0x10 ss:$0x1], $0xffff;
	s22 =	sadd.s32 $0x1, s22;
	[tilespmem:s31+$0xFFFFFFC0] =	vst v57  }
0x43: {  	v63 =	vld.idx.msk [tilespmem:v0+s23+$0x20 ss:$0x1], $0xffff;
	p1 =	sne.s32 s22, $0x8;
	[tilespmem:s31+$0xFFFFFFD0] =	vst v58  }
.Ltmp4:
0x44: {  	[tilespmem:s31+$0xFFFFFFE0] =	vst v59;
	(pc) =	sbr.rel @p1 .LBB1_4-.Ltmp4, $4  }
0x45: {  	[tilespmem:s31+$0xFFFFFFF0] =	vst v60  }
0x46: {  	[tilespmem:s31+$0x0] =	vst v61  }
0x47: {  	[tilespmem:s31+$0x10] =	vst v62  }
0x48: {  	s20 =	sadd.s32 $0x80, s20;
	s21 =	sadd.s32 $0x400, s21;
	[tilespmem:s31+$0x20] =	vst v63  }
.Ltmp5:
0x49: {  	(pc) =	sbr.rel @p0 .LBB1_3-.Ltmp5, $2  }
0x4a: {  	_ =	sdelay $0x2  }
0x4b: {  	s20 =	simm.s32 $0x2000;
	p1 =	por $0x0, $0x0  }
0x4c: {  	s15 =	sand.u32 $0x1FFFFFF, s15  }
0x4d: {  	s18 =	smulhi.u32 $0x2008021, s15;
	_ =	sdelay $0x1  }
0x4e: {  	s16 =	smul.u32 $0xFFC00, s16;
	s18 =	sshrl.u32 s18, $0x6  }
0x4f: {  	s18 =	smul.u32 $0x1FF8, s18  }
.Ltmp6:
0x50: {  	_ = 	snop;
	(pc) =	sbr.rel .LBB1_9-.Ltmp6, $4  }
0x51: {  	s15 =	ssub.s32 s15, s18  }
0x52: {  	s16 =	sadd.s32 s4, s16;
	s15 =	sshll.u32 s15, $0x4  }
0x53: {  	s15 =	sadd.s32 s15, s16  }
0x54: {  	[hbm4b:s15+s9] =	stream.strided.scatter [tilespmem:s17], [sflag:$0x2], $0x4000, s10, s9, $0x38;
	[tilespmem:$0x10000] =	vst v63  }
.LBB1_10:
0x55: {  	_ =	sfence.sel $0x180000  }
0x56: {  	s1 =	simm.s32 $0x1;
	[bflag:$0x0] =	sbarrier.arrive $0xFFFF  }
0x57: {  	s31 =	simm.s32 $0x2;
	[sflag:s1] =	ssyncpa.u1 $0x1  }
0x58: {  	[sflag:s31] =	ssyncpa.u1 $0x1  }
0x59: {  	p0 =	sne.s32 s0, $0x0;
	_ =	strace $0x90000047  }
0x5a: {  	s0 =	sadd.s32 @!p0 $0x100000, s3;
	[bflag:$0x2] =	sbarrier.arrive $0xFFFF  }
0x5b: {  	[sflag:s0] =	ssyncadd.tile.s32 @!p0 $0x1;
	_ =	shalt  }
.Lfunc_end1:
_tile_overlayer_lowered:
.L_overlay_start_2:
0x5c: {  	(tag) =	ssettag $0x2  }
0x5d: {  	s0 =	rddreg [dreg:$0x0];
	s2 =	stileid.u32  }
0x5e: {  	s1 =	rddreg [dreg:$0x1];
	p0 =	sne.s32 s2, $0x0  }
0x5f: {  	s3 =	rddreg [dreg:$0x2];
	[bflag:$0x3] =	sbarrier.arrive $0xFFFF;
	s2 =	simm.s32 @!p0 $0x1C01  }
0x60: {  	[timem:s3], [sflag:s2] =	dma.local @!p0 [hbm:s0], s1  }
0x61: {  	s0 =	simm.s32 @!p0 $0x1  }
0x62: {  	_ =	swait.ge @!p0 [sflag:s0], s1  }
0x63: {  	s1 =	ssub.s32 @!p0 $0x0, s1;
	[sflag:s0] =	ssyncset.done @!p0 $0x0  }
0x64: {  	[sflag:s0] =	ssyncadd.s32 @!p0 s1  }
0x65: {  	[bflag:$0x3] =	sbarrier.arrive $0xFFFF  }
0x66: {  	_ =	shalt  }

</sc_bundles>
